<compile_context>
chip_gen: v7x
topology: tpu7x:2x2x1
jax: 0.10.2.dev20260603
libtpu: 0.0.44.dev20260713+nightly
codegen_flags: <defaults>
</compile_context>

<pallas_src>
import functools

import jax
import jax.numpy as jnp
from jax import lax
from jax.experimental import pallas as pl
from jax.experimental.pallas import tpu as pltpu
from jax.experimental.pallas import tpu_sc as plsc

N = 10000
E = 320000
D = 128
H = 64
C = 10
G = 64

NPAD = 10240
ROWS_PER_TILE = NPAD // 16
CH = 80
EPAD = 32 * CH * 128
GS = 40
NG = CH // GS
DEPTH = 2
BLK = 1024
NBLK = NPAD // BLK

_HIGH = jax.lax.Precision.DEFAULT


def _dot(a, b):
    return jnp.dot(a, b, precision=_HIGH, preferred_element_type=jnp.float32)


def _elu(v):
    return jnp.where(v > 0, v, jnp.exp(jnp.minimum(v, 0.0)) - 1.0)


@functools.lru_cache(maxsize=None)
def _make_segsum(ntab):
    F = 64
    mesh = plsc.VectorSubcoreMesh(core_axis_name="c", subcore_axis_name="s")

    @functools.partial(
        pl.kernel,
        out_type=[jax.ShapeDtypeStruct((2, NPAD, F), jnp.float32)] * ntab,
        mesh=mesh,
        scratch_types=[
            pltpu.VMEM((GS, 128), jnp.int32),
            pltpu.VMEM((GS, 128), jnp.int32),
            pltpu.VMEM((DEPTH * 128, F), jnp.float32),
            pltpu.VMEM_SHARED((NPAD, F), jnp.float32),
            pltpu.VMEM_SHARED((NPAD, F), jnp.float32),
            pltpu.SemaphoreType.DMA,
            pltpu.SemaphoreType.DMA,
        ],
        compiler_params=pltpu.CompilerParams(use_tc_tiling_on_sc=False),
    )
    def segsum(*refs):
        tabs_hbm = refs[:ntab]
        srcm_hbm, dstm_hbm, zeros_hbm = refs[ntab:ntab + 3]
        outs_hbm = refs[ntab + 3:2 * ntab + 3]
        src_v, dst_v, rows_v, tab_sh, acc_sh, gsem, ssem = refs[2 * ntab + 3:]
        c = lax.axis_index("c")
        s = lax.axis_index("s")
        tile = c * 16 + s
        rows = pl.ds(s * ROWS_PER_TILE, ROWS_PER_TILE)

        def group_body(g, carry):
            base = tile * CH + g * GS
            pltpu.sync_copy(srcm_hbm.at[pl.ds(base, GS)], src_v)
            pltpu.sync_copy(dstm_hbm.at[pl.ds(base, GS)], dst_v)
            for k in range(DEPTH - 1):
                pltpu.async_copy(tab_sh.at[src_v.at[k]],
                                 rows_v.at[pl.ds(k * 128, 128)], gsem)

            def chunk_body(k, carry2):
                r0 = (k % DEPTH) * 128
                pltpu.make_async_copy(tab_sh.at[src_v.at[k]],
                                      rows_v.at[pl.ds(r0, 128)], gsem).wait()
                pltpu.async_copy(rows_v.at[pl.ds(r0, 128)],
                                 acc_sh.at[dst_v.at[k]], ssem, add=True)
                kn = k + DEPTH - 1

                @pl.when((kn < GS) & (k >= 1))
                def _():
                    rp = ((k - 1) % DEPTH) * 128
                    pltpu.make_async_copy(rows_v.at[pl.ds(rp, 128)],
                                          acc_sh.at[dst_v.at[k - 1]],
                                          ssem).wait()

                @pl.when(kn < GS)
                def _():
                    rn = (kn % DEPTH) * 128
                    pltpu.async_copy(tab_sh.at[src_v.at[kn]],
                                     rows_v.at[pl.ds(rn, 128)], gsem)

                return carry2

            lax.fori_loop(0, GS, chunk_body, 0)

            for t in range(DEPTH):
                kk = GS - DEPTH + t
                rr = (kk % DEPTH) * 128
                pltpu.make_async_copy(rows_v.at[pl.ds(rr, 128)],
                                      acc_sh.at[dst_v.at[kk]], ssem).wait()
            return carry

        for tab_hbm, out_hbm in zip(tabs_hbm, outs_hbm):
            pltpu.sync_copy(tab_hbm.at[rows], tab_sh.at[rows])
            pltpu.sync_copy(zeros_hbm, acc_sh.at[rows])
            plsc.subcore_barrier()
            lax.fori_loop(0, NG, group_body, 0)
            plsc.subcore_barrier()
            pltpu.sync_copy(acc_sh.at[rows], out_hbm.at[c, rows])

    return segsum


def _pre_body(x_ref, wrel_ref, wroot_ref, b_ref, y_ref, r_ref):
    x = x_ref[...]
    y_ref[...] = _dot(x, wrel_ref[...])
    r_ref[...] = _dot(x, wroot_ref[...]) + b_ref[...]


def _pre(x_pad, wrel, wroot, b):
    F = wrel.shape[1]
    return pl.pallas_call(
        _pre_body,
        grid=(NBLK,),
        in_specs=[
            pl.BlockSpec((BLK, x_pad.shape[1]), lambda i: (i, 0)),
            pl.BlockSpec(wrel.shape, lambda i: (0, 0)),
            pl.BlockSpec(wroot.shape, lambda i: (0, 0)),
            pl.BlockSpec((1, F), lambda i: (0, 0)),
        ],
        out_specs=[
            pl.BlockSpec((BLK, F), lambda i: (i, 0)),
            pl.BlockSpec((BLK, F), lambda i: (i, 0)),
        ],
        out_shape=[
            jax.ShapeDtypeStruct((NPAD, F), jnp.float32),
            jax.ShapeDtypeStruct((NPAD, F), jnp.float32),
        ],
    )(x_pad, wrel, wroot, b.reshape(1, F))


def _mid1_body(p_ref, r_ref, o_ref):
    o_ref[...] = _elu(p_ref[0] + p_ref[1] + r_ref[...])


def _mid1(p, r):
    F = r.shape[1]
    return pl.pallas_call(
        _mid1_body,
        grid=(NBLK,),
        in_specs=[
            pl.BlockSpec((2, BLK, F), lambda i: (0, i, 0)),
            pl.BlockSpec((BLK, F), lambda i: (i, 0)),
        ],
        out_specs=pl.BlockSpec((BLK, F), lambda i: (i, 0)),
        out_shape=jax.ShapeDtypeStruct((NPAD, F), jnp.float32),
    )(p, r)


def _mid2_body(p_ref, h_ref, wrel_ref, wroot_ref, b_ref, lo_ref, hi_ref):
    agg = p_ref[0] + p_ref[1]
    v = _dot(agg, wrel_ref[...]) + _dot(h_ref[...], wroot_ref[...]) + b_ref[...]
    h2 = _elu(v)
    lo_ref[...] = h2[:, :64]
    hi_ref[...] = h2[:, 64:]


def _mid2(p, h, wrel, wroot, b):
    return pl.pallas_call(
        _mid2_body,
        grid=(NBLK,),
        in_specs=[
            pl.BlockSpec((2, BLK, 64), lambda i: (0, i, 0)),
            pl.BlockSpec((BLK, 64), lambda i: (i, 0)),
            pl.BlockSpec((64, 128), lambda i: (0, 0)),
            pl.BlockSpec((64, 128), lambda i: (0, 0)),
            pl.BlockSpec((1, 128), lambda i: (0, 0)),
        ],
        out_specs=[
            pl.BlockSpec((BLK, 64), lambda i: (i, 0)),
            pl.BlockSpec((BLK, 64), lambda i: (i, 0)),
        ],
        out_shape=[
            jax.ShapeDtypeStruct((NPAD, 64), jnp.float32),
            jax.ShapeDtypeStruct((NPAD, 64), jnp.float32),
        ],
    )(p, h, wrel, wroot, b.reshape(1, 128))


def _pool_body(plo_ref, phi_ref, hlo_ref, hhi_ref,
               wrlo_ref, wrhi_ref, wolo_ref, wohi_ref, b_ref, bat_ref,
               w1_ref, b1_ref, w2_ref, b2_ref, w3_ref, b3_ref,
               o_ref, sums_ref, cnts_ref):
    i = pl.program_id(0)
    v = (_dot(plo_ref[0] + plo_ref[1], wrlo_ref[...])
         + _dot(phi_ref[0] + phi_ref[1], wrhi_ref[...])
         + _dot(hlo_ref[...], wolo_ref[...])
         + _dot(hhi_ref[...], wohi_ref[...])
         + b_ref[...])
    h3 = _elu(v)
    bat = bat_ref[pl.ds(i * BLK, BLK)]
    onehot = (bat.reshape(BLK, 1) ==
              lax.broadcasted_iota(jnp.int32, (1, G), 1)).astype(jnp.float32)

    @pl.when(i == 0)
    def _():
        sums_ref[...] = jnp.zeros_like(sums_ref)
        cnts_ref[...] = jnp.zeros_like(cnts_ref)

    sums_ref[...] += _dot(onehot.T, h3)
    cnts_ref[...] += jnp.sum(onehot, axis=0).reshape(G, 1) + jnp.zeros(
        (G, 128), jnp.float32)

    @pl.when(i == NBLK - 1)
    def _():
        cnt = jnp.maximum(cnts_ref[:, 0:1], 1.0)
        m = sums_ref[...] / cnt
        z = _elu(_dot(m, w1_ref[...]) + b1_ref[...])
        z = _elu(_dot(z, w2_ref[...]) + b2_ref[...])
        z = _dot(z, w3_ref[...]) + b3_ref[...]
        zmax = jnp.max(z, axis=1, keepdims=True)
        lse = zmax + jnp.log(jnp.sum(jnp.exp(z - zmax), axis=1, keepdims=True))
        o_ref[...] = z - lse


def _pool_head(plo, phi, hlo, hhi, wrel, wroot, b, batch_pad,
               w1, b1, w2, b2, w3, b3):
    half3 = pl.BlockSpec((2, BLK, 64), lambda i: (0, i, 0))
    half = pl.BlockSpec((BLK, 64), lambda i: (i, 0))
    wspec = pl.BlockSpec((64, 128), lambda i: (0, 0))
    const = lambda shape: pl.BlockSpec(shape, lambda i: tuple(0 for _ in shape))
    return pl.pallas_call(
        _pool_body,
        grid=(NBLK,),
        in_specs=[half3, half3, half, half,
                  wspec, wspec, wspec, wspec,
                  const((1, 128)),
                  pl.BlockSpec((NPAD,), lambda i: (0,)),
                  const(w1.shape), const((1, 128)),
                  const(w2.shape), const((1, 64)),
                  const(w3.shape), const((1, C))],
        out_specs=pl.BlockSpec((G, C), lambda i: (0, 0)),
        out_shape=jax.ShapeDtypeStruct((G, C), jnp.float32),
        scratch_shapes=[
            pltpu.VMEM((G, 128), jnp.float32),
            pltpu.VMEM((G, 128), jnp.float32),
        ],
    )(plo, phi, hlo, hhi,
      wrel[:64], wrel[64:], wroot[:64], wroot[64:],
      b.reshape(1, 128), batch_pad,
      w1, b1.reshape(1, -1), w2, b2.reshape(1, -1), w3, b3.reshape(1, -1))


def kernel(x, edge_index, batch,
           conv1_Wrel, conv1_Wroot, conv1_b,
           conv2_Wrel, conv2_Wroot, conv2_b,
           conv3_Wrel, conv3_Wroot, conv3_b,
           mlp1_W, mlp1_b, mlp2_W, mlp2_b, mlp3_W, mlp3_b):
    x_pad = jnp.pad(x, ((0, NPAD - N), (0, 0)))
    batch_pad = jnp.pad(batch, (0, NPAD - N), constant_values=G)

    src = jnp.pad(edge_index[0], (0, EPAD - E)).reshape(32 * CH, 128)
    dst = jnp.pad(edge_index[1], (0, EPAD - E),
                  constant_values=N).reshape(32 * CH, 128)
    zeros64 = jnp.zeros((ROWS_PER_TILE, 64), jnp.float32)

    seg1 = _make_segsum(1)
    seg2 = _make_segsum(2)

    y1, r1 = _pre(x_pad, conv1_Wrel, conv1_Wroot, conv1_b)
    (p1,) = seg1(y1, src, dst, zeros64)
    h1 = _mid1(p1, r1)

    (p2,) = seg1(h1, src, dst, zeros64)
    h2lo, h2hi = _mid2(p2, h1, conv2_Wrel, conv2_Wroot, conv2_b)

    p3lo, p3hi = seg2(h2lo, h2hi, src, dst, zeros64)
    return _pool_head(p3lo, p3hi, h2lo, h2hi,
                      conv3_Wrel, conv3_Wroot, conv3_b, batch_pad,
                      mlp1_W, mlp1_b, mlp2_W, mlp2_b, mlp3_W, mlp3_b)

# --- scband reference (transcript-rebuilt; emitter-appended) ---
"""Pipeline reference for scband-one-gnn-57801669869757 (READ-ONLY COPY).

The authoritative reference and input builder live on the scoring server;
editing this copy changes nothing except your own understanding.
"""

import jax, jax.numpy as jnp
import numpy as np

N = 10000
E = 320000
D = 128
H = 64
C = 10
G = 64


def setup_inputs(seed: int = 0) -> dict:
    key = jax.random.key(seed)
    ks = jax.random.split(key, 16)
    inp = {}
    inp['x'] = jax.random.normal(ks[0], (N, D), dtype=jnp.float32)
    inp['edge_index'] = jax.random.randint(ks[1], (2, E), 0, N, dtype=jnp.int32)
    inp['batch'] = jnp.sort(jax.random.randint(ks[2], (N,), 0, G, dtype=jnp.int32))
    def lin(k, fin, fout):
        return jax.random.normal(k, (fin, fout), dtype=jnp.float32) / np.sqrt(fin)
    inp['conv1_Wrel'] = lin(ks[3], D, H)
    inp['conv1_Wroot'] = lin(ks[4], D, H)
    inp['conv1_b'] = jnp.zeros((H,), dtype=jnp.float32)
    inp['conv2_Wrel'] = lin(ks[5], H, 2 * H)
    inp['conv2_Wroot'] = lin(ks[6], H, 2 * H)
    inp['conv2_b'] = jnp.zeros((2 * H,), dtype=jnp.float32)
    inp['conv3_Wrel'] = lin(ks[7], 2 * H, 2 * H)
    inp['conv3_Wroot'] = lin(ks[8], 2 * H, 2 * H)
    inp['conv3_b'] = jnp.zeros((2 * H,), dtype=jnp.float32)
    inp['mlp1_W'] = lin(ks[9], 2 * H, 2 * H)
    inp['mlp1_b'] = jnp.zeros((2 * H,), dtype=jnp.float32)
    inp['mlp2_W'] = lin(ks[10], 2 * H, H)
    inp['mlp2_b'] = jnp.zeros((H,), dtype=jnp.float32)
    inp['mlp3_W'] = lin(ks[11], H, C)
    inp['mlp3_b'] = jnp.zeros((C,), dtype=jnp.float32)
    return inp


def _graph_conv(x, src, dst, Wrel, Wroot, b):
    # PyG GraphConv (Morris et al.): out_i = Wroot x_i + Wrel * sum_{j in N(i)} x_j + b
    msgs = jnp.take(x, src, axis=0)
    agg = jax.ops.segment_sum(msgs, dst, num_segments=N)
    return agg @ Wrel + x @ Wroot + b


def reference(x, edge_index, batch, conv1_Wrel, conv1_Wroot, conv1_b, conv2_Wrel, conv2_Wroot, conv2_b, conv3_Wrel, conv3_Wroot, conv3_b, mlp1_W, mlp1_b, mlp2_W, mlp2_b, mlp3_W, mlp3_b):
    src = edge_index[0]
    dst = edge_index[1]
    h = jax.nn.elu(_graph_conv(x, src, dst, conv1_Wrel, conv1_Wroot, conv1_b))
    h = jax.nn.elu(_graph_conv(h, src, dst, conv2_Wrel, conv2_Wroot, conv2_b))
    h = jax.nn.elu(_graph_conv(h, src, dst, conv3_Wrel, conv3_Wroot, conv3_b))
    sums = jax.ops.segment_sum(h, batch, num_segments=G)
    cnts = jax.ops.segment_sum(jnp.ones((N, 1), dtype=jnp.float32), batch, num_segments=G)
    h = sums / jnp.maximum(cnts, 1.0)
    h = jax.nn.elu(h @ mlp1_W + mlp1_b)
    # dropout treated as identity for deterministic reference
    h = jax.nn.elu(h @ mlp2_W + mlp2_b)
    h = h @ mlp3_W + mlp3_b
    return jax.nn.log_softmax(h, axis=1)

if __name__ == "__main__":
    import jax
    _d = setup_inputs()
    print(jax.jit(kernel)(*tuple(_d.values())))

</pallas_src>

<mosaic_0001>
#map = affine_map<(d0, d1) -> (0, 0)>
#map1 = affine_map<(d0, d1) -> (0, 0, 0)>
module attributes {stable_mosaic.version = 14 : i64} {
  func.func @segsum(%arg0: i32, %arg1: i32, %arg2: memref<10240x64xf32, #tpu.memory_space<hbm>>, %arg3: memref<2560x128xi32, #tpu.memory_space<hbm>>, %arg4: memref<2560x128xi32, #tpu.memory_space<hbm>>, %arg5: memref<640x64xf32, #tpu.memory_space<hbm>>, %arg6: memref<2x10240x64xf32, #tpu.memory_space<hbm>>, %arg7: memref<40x128xi32, #tpu.memory_space<vmem>>, %arg8: memref<40x128xi32, #tpu.memory_space<vmem>>, %arg9: memref<256x64xf32, #tpu.memory_space<vmem>>, %arg10: memref<10240x64xf32, #tpu.memory_space<vmem_shared>>, %arg11: memref<10240x64xf32, #tpu.memory_space<vmem_shared>>, %arg12: memref<!tpu.dma_semaphore, #tpu.memory_space<semaphore_mem>>, %arg13: memref<!tpu.dma_semaphore, #tpu.memory_space<semaphore_mem>>) attributes {dimension_semantics = [#tpu.dimension_semantics<core_parallel>, #tpu.dimension_semantics<subcore_parallel>], iteration_bounds = array<i64: 2, 16>, scalar_prefetch = 0 : i64, scratch_operands = 7 : i64, tpu.core_type = #tpu.core_type<sc_vector_subcore>, window_params = [{transform_indices = #map}, {transform_indices = #map}, {transform_indices = #map}, {transform_indices = #map}, {transform_indices = #map1}]} {
    %mul3A = arith.constant 16 : i32
    %mul3A_0 = arith.muli %arg0, %mul3A : i32
    %add3A = arith.addi %mul3A_0, %arg1 : i32
    %mul3A_1 = arith.constant 640 : i32
    %mul3A_2 = arith.muli %arg1, %mul3A_1 : i32
    "tpu.region"() ({
      %run_scoped3A = tpu.sem_alloc : memref<!tpu.dma_semaphore, #tpu.memory_space<semaphore_mem>>
      %dma_start3A = arith.constant 0 : i32
      %dma_start3A_9 = tpu.memref_slice %arg10[%mul3A_2, %dma_start3A] : memref<10240x64xf32, #tpu.memory_space<vmem_shared>> -> memref<640x64xf32, #tpu.memory_space<vmem_shared>>
      %dma_start3A_10 = arith.constant 0 : i32
      %dma_start3A_11 = tpu.memref_slice %arg2[%mul3A_2, %dma_start3A_10] : memref<10240x64xf32, #tpu.memory_space<hbm>> -> memref<640x64xf32, #tpu.memory_space<hbm>>
      tpu.enqueue_dma source(%dma_start3A_11 : memref<640x64xf32, #tpu.memory_space<hbm>>) target(%dma_start3A_9 : memref<640x64xf32, #tpu.memory_space<vmem_shared>>) target_semaphore(%run_scoped3A : memref<!tpu.dma_semaphore, #tpu.memory_space<semaphore_mem>>)
      %dma_wait3A = arith.constant 0 : i32
      %dma_wait3A_12 = tpu.memref_slice %arg10[%mul3A_2, %dma_wait3A] : memref<10240x64xf32, #tpu.memory_space<vmem_shared>> -> memref<640x64xf32, #tpu.memory_space<vmem_shared>>
      %dma_wait3A_13 = arith.constant 0 : i32
      %dma_wait3A_14 = tpu.memref_slice %arg2[%mul3A_2, %dma_wait3A_13] : memref<10240x64xf32, #tpu.memory_space<hbm>> -> memref<640x64xf32, #tpu.memory_space<hbm>>
      tpu.wait_dma2 semaphore(%run_scoped3A : memref<!tpu.dma_semaphore, #tpu.memory_space<semaphore_mem>>) src(%dma_wait3A_14 : memref<640x64xf32, #tpu.memory_space<hbm>>) dst(%dma_wait3A_12 : memref<640x64xf32, #tpu.memory_space<vmem_shared>>)
      tpu.yield
    }) : () -> ()
    "tpu.region"() ({
      %run_scoped3A = tpu.sem_alloc : memref<!tpu.dma_semaphore, #tpu.memory_space<semaphore_mem>>
      %dma_start3A = arith.constant 0 : i32
      %dma_start3A_9 = tpu.memref_slice %arg11[%mul3A_2, %dma_start3A] : memref<10240x64xf32, #tpu.memory_space<vmem_shared>> -> memref<640x64xf32, #tpu.memory_space<vmem_shared>>
      tpu.enqueue_dma source(%arg5 : memref<640x64xf32, #tpu.memory_space<hbm>>) target(%dma_start3A_9 : memref<640x64xf32, #tpu.memory_space<vmem_shared>>) target_semaphore(%run_scoped3A : memref<!tpu.dma_semaphore, #tpu.memory_space<semaphore_mem>>)
      %dma_wait3A = arith.constant 0 : i32
      %dma_wait3A_10 = tpu.memref_slice %arg11[%mul3A_2, %dma_wait3A] : memref<10240x64xf32, #tpu.memory_space<vmem_shared>> -> memref<640x64xf32, #tpu.memory_space<vmem_shared>>
      tpu.wait_dma2 semaphore(%run_scoped3A : memref<!tpu.dma_semaphore, #tpu.memory_space<semaphore_mem>>) src(%arg5 : memref<640x64xf32, #tpu.memory_space<hbm>>) dst(%dma_wait3A_10 : memref<640x64xf32, #tpu.memory_space<vmem_shared>>)
      tpu.yield
    }) : () -> ()
    %barrier3A = arith.constant 0 : index
    tpu.barrier barrier_id(%barrier3A)
    %scan3A = arith.constant 0 : i32
    %scan3A_3 = arith.constant 0 : i32
    %scan3A_4 = arith.constant 2 : i32
    %scan3A_5 = arith.addi %scan3A_3, %scan3A_4 : i32
    %scan3A_6 = arith.constant 1 : i32
    scf.for %scan3A_9 = %scan3A_3 to %scan3A_5 step %scan3A_6  : i32 {
      %mul3A_10 = arith.constant 80 : i32
      %mul3A_11 = arith.muli %add3A, %mul3A_10 : i32
      %mul3A_12 = arith.constant 40 : i32
      %mul3A_13 = arith.muli %scan3A_9, %mul3A_12 : i32
      %add3A_14 = arith.addi %mul3A_11, %mul3A_13 : i32
      "tpu.region"() ({
        %run_scoped3A = tpu.sem_alloc : memref<!tpu.dma_semaphore, #tpu.memory_space<semaphore_mem>>
        %dma_start3A_49 = arith.constant 0 : i32
        %dma_start3A_50 = tpu.memref_slice %arg3[%add3A_14, %dma_start3A_49] : memref<2560x128xi32, #tpu.memory_space<hbm>> -> memref<40x128xi32, #tpu.memory_space<hbm>>
        %dma_start3A_51 = arith.constant 0 : i32
        %dma_start3A_52 = tpu.memref_slice %arg3[%add3A_14, %dma_start3A_51] : memref<2560x128xi32, #tpu.memory_space<hbm>> -> memref<40x128xi32, #tpu.memory_space<hbm>>
        tpu.enqueue_dma source(%dma_start3A_52 : memref<40x128xi32, #tpu.memory_space<hbm>>) target(%arg7 : memref<40x128xi32, #tpu.memory_space<vmem>>) target_semaphore(%run_scoped3A : memref<!tpu.dma_semaphore, #tpu.memory_space<semaphore_mem>>)
        %dma_wait3A_53 = arith.constant 0 : i32
        %dma_wait3A_54 = tpu.memref_slice %arg3[%add3A_14, %dma_wait3A_53] : memref<2560x128xi32, #tpu.memory_space<hbm>> -> memref<40x128xi32, #tpu.memory_space<hbm>>
        %dma_wait3A_55 = arith.constant 0 : i32
        %dma_wait3A_56 = tpu.memref_slice %arg3[%add3A_14, %dma_wait3A_55] : memref<2560x128xi32, #tpu.memory_space<hbm>> -> memref<40x128xi32, #tpu.memory_space<hbm>>
        tpu.wait_dma2 semaphore(%run_scoped3A : memref<!tpu.dma_semaphore, #tpu.memory_space<semaphore_mem>>) src(%dma_wait3A_56 : memref<40x128xi32, #tpu.memory_space<hbm>>) dst(%arg7 : memref<40x128xi32, #tpu.memory_space<vmem>>)
        tpu.yield
      }) : () -> ()
      "tpu.region"() ({
        %run_scoped3A = tpu.sem_alloc : memref<!tpu.dma_semaphore, #tpu.memory_space<semaphore_mem>>
        %dma_start3A_49 = arith.constant 0 : i32
        %dma_start3A_50 = tpu.memref_slice %arg4[%add3A_14, %dma_start3A_49] : memref<2560x128xi32, #tpu.memory_space<hbm>> -> memref<40x128xi32, #tpu.memory_space<hbm>>
        %dma_start3A_51 = arith.constant 0 : i32
        %dma_start3A_52 = tpu.memref_slice %arg4[%add3A_14, %dma_start3A_51] : memref<2560x128xi32, #tpu.memory_space<hbm>> -> memref<40x128xi32, #tpu.memory_space<hbm>>
        tpu.enqueue_dma source(%dma_start3A_52 : memref<40x128xi32, #tpu.memory_space<hbm>>) target(%arg8 : memref<40x128xi32, #tpu.memory_space<vmem>>) target_semaphore(%run_scoped3A : memref<!tpu.dma_semaphore, #tpu.memory_space<semaphore_mem>>)
        %dma_wait3A_53 = arith.constant 0 : i32
        %dma_wait3A_54 = tpu.memref_slice %arg4[%add3A_14, %dma_wait3A_53] : memref<2560x128xi32, #tpu.memory_space<hbm>> -> memref<40x128xi32, #tpu.memory_space<hbm>>
        %dma_wait3A_55 = arith.constant 0 : i32
        %dma_wait3A_56 = tpu.memref_slice %arg4[%add3A_14, %dma_wait3A_55] : memref<2560x128xi32, #tpu.memory_space<hbm>> -> memref<40x128xi32, #tpu.memory_space<hbm>>
        tpu.wait_dma2 semaphore(%run_scoped3A : memref<!tpu.dma_semaphore, #tpu.memory_space<semaphore_mem>>) src(%dma_wait3A_56 : memref<40x128xi32, #tpu.memory_space<hbm>>) dst(%arg8 : memref<40x128xi32, #tpu.memory_space<vmem>>)
        tpu.yield
      }) : () -> ()
      %dma_start3A = arith.constant 0 : i32
      %dma_start3A_15 = arith.constant 0 : i32
      %dma_start3A_16 = arith.constant 0 : i32
      %dma_start3A_17 = tpu.memref_slice %arg9[%dma_start3A_15, %dma_start3A_16] : memref<256x64xf32, #tpu.memory_space<vmem>> -> memref<128x64xf32, #tpu.memory_space<vmem>>
      %dma_start3A_18 = arith.constant 0 : i32
      %dma_start3A_19 = tpu.memref_slice %arg7[%dma_start3A, %dma_start3A_18] : memref<40x128xi32, #tpu.memory_space<vmem>> -> memref<1x128xi32, #tpu.memory_space<vmem>>
      %dma_start3A_20 = tpu.memref_squeeze %dma_start3A_19 : memref<1x128xi32, #tpu.memory_space<vmem>> -> memref<128xi32, #tpu.memory_space<vmem>>
      %dma_start3A_21 = arith.constant 0 : i32
      %dma_start3A_22 = arith.constant 0 : i32
      %dma_start3A_23 = tpu.memref_slice %arg10[%dma_start3A_21, %dma_start3A_22] : memref<10240x64xf32, #tpu.memory_space<vmem_shared>> -> memref<10240x64xf32, #tpu.memory_space<vmem_shared>>
      tpu.enqueue_indirect_dma source(%dma_start3A_23 : memref<10240x64xf32, #tpu.memory_space<vmem_shared>>) target(%dma_start3A_17 : memref<128x64xf32, #tpu.memory_space<vmem>>) offsets(%dma_start3A_20 : memref<128xi32, #tpu.memory_space<vmem>>) semaphore(%arg12 : memref<!tpu.dma_semaphore, #tpu.memory_space<semaphore_mem>>)
      %scan3A_24 = arith.constant 0 : i32
      %scan3A_25 = arith.constant 0 : i32
      %scan3A_26 = arith.constant 40 : i32
      %scan3A_27 = arith.addi %scan3A_25, %scan3A_26 : i32
      %scan3A_28 = arith.constant 1 : i32
      scf.for %scan3A_49 = %scan3A_25 to %scan3A_27 step %scan3A_28  : i32 {
        %jit3A = arith.constant 2 : i32
        %eq3A = arith.constant 0 : i32
        %eq3A_50 = arith.cmpi eq, %jit3A, %eq3A : i32
        %jit3A_51 = arith.constant 1 : i32
        %select_n3A = arith.select %eq3A_50, %jit3A_51, %jit3A : i32
        %rem3A = arith.remsi %scan3A_49, %select_n3A : i32
        %ne3A = arith.constant 0 : i32
        %ne3A_52 = arith.cmpi ne, %rem3A, %ne3A : i32
        %lt3A = arith.constant 0 : i32
        %lt3A_53 = arith.cmpi slt, %rem3A, %lt3A : i32
        %lt3A_54 = arith.constant 0 : i32
        %lt3A_55 = arith.cmpi slt, %select_n3A, %lt3A_54 : i32
        %ne3A_56 = arith.xori %lt3A_53, %lt3A_55 : i1
        %and3A = arith.andi %ne3A_56, %ne3A_52 : i1
        %add3A_57 = arith.addi %rem3A, %select_n3A : i32
        %select_n3A_58 = arith.select %and3A, %add3A_57, %rem3A : i32
        %mul3A_59 = arith.constant 128 : i32
        %mul3A_60 = arith.muli %select_n3A_58, %mul3A_59 : i32
        %dma_wait3A_61 = arith.constant 0 : i32
        %dma_wait3A_62 = tpu.memref_slice %arg9[%mul3A_60, %dma_wait3A_61] : memref<256x64xf32, #tpu.memory_space<vmem>> -> memref<128x64xf32, #tpu.memory_space<vmem>>
        %dma_wait3A_63 = arith.constant 0 : i32
        %dma_wait3A_64 = tpu.memref_slice %arg7[%scan3A_49, %dma_wait3A_63] : memref<40x128xi32, #tpu.memory_space<vmem>> -> memref<1x128xi32, #tpu.memory_space<vmem>>
        %dma_wait3A_65 = tpu.memref_squeeze %dma_wait3A_64 : memref<1x128xi32, #tpu.memory_space<vmem>> -> memref<128xi32, #tpu.memory_space<vmem>>
        %dma_wait3A_66 = arith.constant 0 : i32
        %dma_wait3A_67 = arith.constant 0 : i32
        %dma_wait3A_68 = tpu.memref_slice %arg10[%dma_wait3A_66, %dma_wait3A_67] : memref<10240x64xf32, #tpu.memory_space<vmem_shared>> -> memref<10240x64xf32, #tpu.memory_space<vmem_shared>>
        tpu.wait_indirect_dma semaphore(%arg12 : memref<!tpu.dma_semaphore, #tpu.memory_space<semaphore_mem>>) src(%dma_wait3A_68 : memref<10240x64xf32, #tpu.memory_space<vmem_shared>>) dst(%dma_wait3A_62 : memref<128x64xf32, #tpu.memory_space<vmem>>)
        %dma_start3A_69 = arith.constant 0 : i32
        %dma_start3A_70 = tpu.memref_slice %arg9[%mul3A_60, %dma_start3A_69] : memref<256x64xf32, #tpu.memory_space<vmem>> -> memref<128x64xf32, #tpu.memory_space<vmem>>
        %dma_start3A_71 = arith.constant 0 : i32
        %dma_start3A_72 = tpu.memref_slice %arg8[%scan3A_49, %dma_start3A_71] : memref<40x128xi32, #tpu.memory_space<vmem>> -> memref<1x128xi32, #tpu.memory_space<vmem>>
        %dma_start3A_73 = tpu.memref_squeeze %dma_start3A_72 : memref<1x128xi32, #tpu.memory_space<vmem>> -> memref<128xi32, #tpu.memory_space<vmem>>
        %dma_start3A_74 = arith.constant 0 : i32
        %dma_start3A_75 = arith.constant 0 : i32
        %dma_start3A_76 = tpu.memref_slice %arg11[%dma_start3A_74, %dma_start3A_75] : memref<10240x64xf32, #tpu.memory_space<vmem_shared>> -> memref<10240x64xf32, #tpu.memory_space<vmem_shared>>
        tpu.enqueue_indirect_dma source(%dma_start3A_70 : memref<128x64xf32, #tpu.memory_space<vmem>>) target(%dma_start3A_76 : memref<10240x64xf32, #tpu.memory_space<vmem_shared>>) offsets(%dma_start3A_73 : memref<128xi32, #tpu.memory_space<vmem>>) semaphore(%arg13 : memref<!tpu.dma_semaphore, #tpu.memory_space<semaphore_mem>>) {add = true}
        %add3A_77 = arith.constant 2 : i32
        %add3A_78 = arith.addi %scan3A_49, %add3A_77 : i32
        %sub3A = arith.constant 1 : i32
        %sub3A_79 = arith.subi %add3A_78, %sub3A : i32
        %lt3A_80 = arith.constant 40 : i32
        %lt3A_81 = arith.cmpi slt, %sub3A_79, %lt3A_80 : i32
        %ge3A = arith.constant 1 : i32
        %ge3A_82 = arith.cmpi sge, %scan3A_49, %ge3A : i32
        %and3A_83 = arith.andi %lt3A_81, %ge3A_82 : i1
        %convert_element_type3A = arith.extui %and3A_83 : i1 to i32
        %cond3A = arith.constant 0 : i32
        %cond3A_84 = arith.cmpi ne, %convert_element_type3A, %cond3A : i32
        scf.if %cond3A_84 {
          %sub3A_90 = arith.constant 1 : i32
          %sub3A_91 = arith.subi %scan3A_49, %sub3A_90 : i32
          %jit3A_92 = arith.constant 2 : i32
          %eq3A_93 = arith.constant 0 : i32
          %eq3A_94 = arith.cmpi eq, %jit3A_92, %eq3A_93 : i32
          %jit3A_95 = arith.constant 1 : i32
          %select_n3A_96 = arith.select %eq3A_94, %jit3A_95, %jit3A_92 : i32
          %rem3A_97 = arith.remsi %sub3A_91, %select_n3A_96 : i32
          %ne3A_98 = arith.constant 0 : i32
          %ne3A_99 = arith.cmpi ne, %rem3A_97, %ne3A_98 : i32
          %lt3A_100 = arith.constant 0 : i32
          %lt3A_101 = arith.cmpi slt, %rem3A_97, %lt3A_100 : i32
          %lt3A_102 = arith.constant 0 : i32
          %lt3A_103 = arith.cmpi slt, %select_n3A_96, %lt3A_102 : i32
          %ne3A_104 = arith.xori %lt3A_101, %lt3A_103 : i1
          %and3A_105 = arith.andi %ne3A_104, %ne3A_99 : i1
          %add3A_106 = arith.addi %rem3A_97, %select_n3A_96 : i32
          %select_n3A_107 = arith.select %and3A_105, %add3A_106, %rem3A_97 : i32
          %mul3A_108 = arith.constant 128 : i32
          %mul3A_109 = arith.muli %select_n3A_107, %mul3A_108 : i32
          %sub3A_110 = arith.constant 1 : i32
          %sub3A_111 = arith.subi %scan3A_49, %sub3A_110 : i32
          %dma_wait3A_112 = arith.constant 0 : i32
          %dma_wait3A_113 = tpu.memref_slice %arg9[%mul3A_109, %dma_wait3A_112] : memref<256x64xf32, #tpu.memory_space<vmem>> -> memref<128x64xf32, #tpu.memory_space<vmem>>
          %dma_wait3A_114 = arith.constant 0 : i32
          %dma_wait3A_115 = tpu.memref_slice %arg8[%sub3A_111, %dma_wait3A_114] : memref<40x128xi32, #tpu.memory_space<vmem>> -> memref<1x128xi32, #tpu.memory_space<vmem>>
          %dma_wait3A_116 = tpu.memref_squeeze %dma_wait3A_115 : memref<1x128xi32, #tpu.memory_space<vmem>> -> memref<128xi32, #tpu.memory_space<vmem>>
          %dma_wait3A_117 = arith.constant 0 : i32
          %dma_wait3A_118 = arith.constant 0 : i32
          %dma_wait3A_119 = tpu.memref_slice %arg11[%dma_wait3A_117, %dma_wait3A_118] : memref<10240x64xf32, #tpu.memory_space<vmem_shared>> -> memref<10240x64xf32, #tpu.memory_space<vmem_shared>>
          tpu.wait_indirect_dma semaphore(%arg13 : memref<!tpu.dma_semaphore, #tpu.memory_space<semaphore_mem>>) src(%dma_wait3A_113 : memref<128x64xf32, #tpu.memory_space<vmem>>) dst(%dma_wait3A_119 : memref<10240x64xf32, #tpu.memory_space<vmem_shared>>)
        } else {
        }
        %lt3A_85 = arith.constant 40 : i32
        %lt3A_86 = arith.cmpi slt, %sub3A_79, %lt3A_85 : i32
        %convert_element_type3A_87 = arith.extui %lt3A_86 : i1 to i32
        %cond3A_88 = arith.constant 0 : i32
        %cond3A_89 = arith.cmpi ne, %convert_element_type3A_87, %cond3A_88 : i32
        scf.if %cond3A_89 {
          %jit3A_90 = arith.constant 2 : i32
          %eq3A_91 = arith.constant 0 : i32
          %eq3A_92 = arith.cmpi eq, %jit3A_90, %eq3A_91 : i32
          %jit3A_93 = arith.constant 1 : i32
          %select_n3A_94 = arith.select %eq3A_92, %jit3A_93, %jit3A_90 : i32
          %rem3A_95 = arith.remsi %sub3A_79, %select_n3A_94 : i32
          %ne3A_96 = arith.constant 0 : i32
          %ne3A_97 = arith.cmpi ne, %rem3A_95, %ne3A_96 : i32
          %lt3A_98 = arith.constant 0 : i32
          %lt3A_99 = arith.cmpi slt, %rem3A_95, %lt3A_98 : i32
          %lt3A_100 = arith.constant 0 : i32
          %lt3A_101 = arith.cmpi slt, %select_n3A_94, %lt3A_100 : i32
          %ne3A_102 = arith.xori %lt3A_99, %lt3A_101 : i1
          %and3A_103 = arith.andi %ne3A_102, %ne3A_97 : i1
          %add3A_104 = arith.addi %rem3A_95, %select_n3A_94 : i32
          %select_n3A_105 = arith.select %and3A_103, %add3A_104, %rem3A_95 : i32
          %mul3A_106 = arith.constant 128 : i32
          %mul3A_107 = arith.muli %select_n3A_105, %mul3A_106 : i32
          %dma_start3A_108 = arith.constant 0 : i32
          %dma_start3A_109 = tpu.memref_slice %arg9[%mul3A_107, %dma_start3A_108] : memref<256x64xf32, #tpu.memory_space<vmem>> -> memref<128x64xf32, #tpu.memory_space<vmem>>
          %dma_start3A_110 = arith.constant 0 : i32
          %dma_start3A_111 = tpu.memref_slice %arg7[%sub3A_79, %dma_start3A_110] : memref<40x128xi32, #tpu.memory_space<vmem>> -> memref<1x128xi32, #tpu.memory_space<vmem>>
          %dma_start3A_112 = tpu.memref_squeeze %dma_start3A_111 : memref<1x128xi32, #tpu.memory_space<vmem>> -> memref<128xi32, #tpu.memory_space<vmem>>
          %dma_start3A_113 = arith.constant 0 : i32
          %dma_start3A_114 = arith.constant 0 : i32
          %dma_start3A_115 = tpu.memref_slice %arg10[%dma_start3A_113, %dma_start3A_114] : memref<10240x64xf32, #tpu.memory_space<vmem_shared>> -> memref<10240x64xf32, #tpu.memory_space<vmem_shared>>
          tpu.enqueue_indirect_dma source(%dma_start3A_115 : memref<10240x64xf32, #tpu.memory_space<vmem_shared>>) target(%dma_start3A_109 : memref<128x64xf32, #tpu.memory_space<vmem>>) offsets(%dma_start3A_112 : memref<128xi32, #tpu.memory_space<vmem>>) semaphore(%arg12 : memref<!tpu.dma_semaphore, #tpu.memory_space<semaphore_mem>>)
        } else {
        }
      }
      %scan3A_29 = arith.constant 40 : i32
      %dma_wait3A = arith.constant 38 : i32
      %dma_wait3A_30 = arith.constant 0 : i32
      %dma_wait3A_31 = arith.constant 0 : i32
      %dma_wait3A_32 = tpu.memref_slice %arg9[%dma_wait3A_30, %dma_wait3A_31] : memref<256x64xf32, #tpu.memory_space<vmem>> -> memref<128x64xf32, #tpu.memory_space<vmem>>
      %dma_wait3A_33 = arith.constant 0 : i32
      %dma_wait3A_34 = tpu.memref_slice %arg8[%dma_wait3A, %dma_wait3A_33] : memref<40x128xi32, #tpu.memory_space<vmem>> -> memref<1x128xi32, #tpu.memory_space<vmem>>
      %dma_wait3A_35 = tpu.memref_squeeze %dma_wait3A_34 : memref<1x128xi32, #tpu.memory_space<vmem>> -> memref<128xi32, #tpu.memory_space<vmem>>
      %dma_wait3A_36 = arith.constant 0 : i32
      %dma_wait3A_37 = arith.constant 0 : i32
      %dma_wait3A_38 = tpu.memref_slice %arg11[%dma_wait3A_36, %dma_wait3A_37] : memref<10240x64xf32, #tpu.memory_space<vmem_shared>> -> memref<10240x64xf32, #tpu.memory_space<vmem_shared>>
      tpu.wait_indirect_dma semaphore(%arg13 : memref<!tpu.dma_semaphore, #tpu.memory_space<semaphore_mem>>) src(%dma_wait3A_32 : memref<128x64xf32, #tpu.memory_space<vmem>>) dst(%dma_wait3A_38 : memref<10240x64xf32, #tpu.memory_space<vmem_shared>>)
      %dma_wait3A_39 = arith.constant 39 : i32
      %dma_wait3A_40 = arith.constant 128 : i32
      %dma_wait3A_41 = arith.constant 0 : i32
      %dma_wait3A_42 = tpu.memref_slice %arg9[%dma_wait3A_40, %dma_wait3A_41] : memref<256x64xf32, #tpu.memory_space<vmem>> -> memref<128x64xf32, #tpu.memory_space<vmem>>
      %dma_wait3A_43 = arith.constant 0 : i32
      %dma_wait3A_44 = tpu.memref_slice %arg8[%dma_wait3A_39, %dma_wait3A_43] : memref<40x128xi32, #tpu.memory_space<vmem>> -> memref<1x128xi32, #tpu.memory_space<vmem>>
      %dma_wait3A_45 = tpu.memref_squeeze %dma_wait3A_44 : memref<1x128xi32, #tpu.memory_space<vmem>> -> memref<128xi32, #tpu.memory_space<vmem>>
      %dma_wait3A_46 = arith.constant 0 : i32
      %dma_wait3A_47 = arith.constant 0 : i32
      %dma_wait3A_48 = tpu.memref_slice %arg11[%dma_wait3A_46, %dma_wait3A_47] : memref<10240x64xf32, #tpu.memory_space<vmem_shared>> -> memref<10240x64xf32, #tpu.memory_space<vmem_shared>>
      tpu.wait_indirect_dma semaphore(%arg13 : memref<!tpu.dma_semaphore, #tpu.memory_space<semaphore_mem>>) src(%dma_wait3A_42 : memref<128x64xf32, #tpu.memory_space<vmem>>) dst(%dma_wait3A_48 : memref<10240x64xf32, #tpu.memory_space<vmem_shared>>)
    }
    %scan3A_7 = arith.constant 2 : i32
    %barrier3A_8 = arith.constant 0 : index
    tpu.barrier barrier_id(%barrier3A_8)
    "tpu.region"() ({
      %run_scoped3A = tpu.sem_alloc : memref<!tpu.dma_semaphore, #tpu.memory_space<semaphore_mem>>
      %dma_start3A = arith.constant 0 : i32
      %dma_start3A_9 = tpu.memref_slice %arg6[%arg0, %mul3A_2, %dma_start3A] : memref<2x10240x64xf32, #tpu.memory_space<hbm>> -> memref<1x640x64xf32, #tpu.memory_space<hbm>>
      %dma_start3A_10 = tpu.memref_squeeze %dma_start3A_9 : memref<1x640x64xf32, #tpu.memory_space<hbm>> -> memref<640x64xf32, #tpu.memory_space<hbm>>
      %dma_start3A_11 = arith.constant 0 : i32
      %dma_start3A_12 = tpu.memref_slice %arg11[%mul3A_2, %dma_start3A_11] : memref<10240x64xf32, #tpu.memory_space<vmem_shared>> -> memref<640x64xf32, #tpu.memory_space<vmem_shared>>
      tpu.enqueue_dma source(%dma_start3A_12 : memref<640x64xf32, #tpu.memory_space<vmem_shared>>) target(%dma_start3A_10 : memref<640x64xf32, #tpu.memory_space<hbm>>) target_semaphore(%run_scoped3A : memref<!tpu.dma_semaphore, #tpu.memory_space<semaphore_mem>>)
      %dma_wait3A = arith.constant 0 : i32
      %dma_wait3A_13 = tpu.memref_slice %arg6[%arg0, %mul3A_2, %dma_wait3A] : memref<2x10240x64xf32, #tpu.memory_space<hbm>> -> memref<1x640x64xf32, #tpu.memory_space<hbm>>
      %dma_wait3A_14 = tpu.memref_squeeze %dma_wait3A_13 : memref<1x640x64xf32, #tpu.memory_space<hbm>> -> memref<640x64xf32, #tpu.memory_space<hbm>>
      %dma_wait3A_15 = arith.constant 0 : i32
      %dma_wait3A_16 = tpu.memref_slice %arg11[%mul3A_2, %dma_wait3A_15] : memref<10240x64xf32, #tpu.memory_space<vmem_shared>> -> memref<640x64xf32, #tpu.memory_space<vmem_shared>>
      tpu.wait_dma2 semaphore(%run_scoped3A : memref<!tpu.dma_semaphore, #tpu.memory_space<semaphore_mem>>) src(%dma_wait3A_16 : memref<640x64xf32, #tpu.memory_space<vmem_shared>>) dst(%dma_wait3A_14 : memref<640x64xf32, #tpu.memory_space<hbm>>)
      tpu.yield
    }) : () -> ()
    return
  }
}

#map = affine_map<(d0, d1) -> (0, 0)>
#map1 = affine_map<(d0, d1) -> (0, 0, 0)>
module attributes {stable_mosaic.version = 14 : i64} {
  func.func @segsum(%arg0: i32, %arg1: i32, %arg2: memref<10240x64xf32, #tpu.memory_space<hbm>>, %arg3: memref<10240x64xf32, #tpu.memory_space<hbm>>, %arg4: memref<2560x128xi32, #tpu.memory_space<hbm>>, %arg5: memref<2560x128xi32, #tpu.memory_space<hbm>>, %arg6: memref<640x64xf32, #tpu.memory_space<hbm>>, %arg7: memref<2x10240x64xf32, #tpu.memory_space<hbm>>, %arg8: memref<2x10240x64xf32, #tpu.memory_space<hbm>>, %arg9: memref<40x128xi32, #tpu.memory_space<vmem>>, %arg10: memref<40x128xi32, #tpu.memory_space<vmem>>, %arg11: memref<256x64xf32, #tpu.memory_space<vmem>>, %arg12: memref<10240x64xf32, #tpu.memory_space<vmem_shared>>, %arg13: memref<10240x64xf32, #tpu.memory_space<vmem_shared>>, %arg14: memref<!tpu.dma_semaphore, #tpu.memory_space<semaphore_mem>>, %arg15: memref<!tpu.dma_semaphore, #tpu.memory_space<semaphore_mem>>) attributes {dimension_semantics = [#tpu.dimension_semantics<core_parallel>, #tpu.dimension_semantics<subcore_parallel>], iteration_bounds = array<i64: 2, 16>, scalar_prefetch = 0 : i64, scratch_operands = 7 : i64, tpu.core_type = #tpu.core_type<sc_vector_subcore>, window_params = [{transform_indices = #map}, {transform_indices = #map}, {transform_indices = #map}, {transform_indices = #map}, {transform_indices = #map}, {transform_indices = #map1}, {transform_indices = #map1}]} {
    %mul3A = arith.constant 16 : i32
    %mul3A_0 = arith.muli %arg0, %mul3A : i32
    %add3A = arith.addi %mul3A_0, %arg1 : i32
    %mul3A_1 = arith.constant 640 : i32
    %mul3A_2 = arith.muli %arg1, %mul3A_1 : i32
    "tpu.region"() ({
      %run_scoped3A = tpu.sem_alloc : memref<!tpu.dma_semaphore, #tpu.memory_space<semaphore_mem>>
      %dma_start3A = arith.constant 0 : i32
      %dma_start3A_17 = tpu.memref_slice %arg12[%mul3A_2, %dma_start3A] : memref<10240x64xf32, #tpu.memory_space<vmem_shared>> -> memref<640x64xf32, #tpu.memory_space<vmem_shared>>
      %dma_start3A_18 = arith.constant 0 : i32
      %dma_start3A_19 = tpu.memref_slice %arg2[%mul3A_2, %dma_start3A_18] : memref<10240x64xf32, #tpu.memory_space<hbm>> -> memref<640x64xf32, #tpu.memory_space<hbm>>
      tpu.enqueue_dma source(%dma_start3A_19 : memref<640x64xf32, #tpu.memory_space<hbm>>) target(%dma_start3A_17 : memref<640x64xf32, #tpu.memory_space<vmem_shared>>) target_semaphore(%run_scoped3A : memref<!tpu.dma_semaphore, #tpu.memory_space<semaphore_mem>>)
      %dma_wait3A = arith.constant 0 : i32
      %dma_wait3A_20 = tpu.memref_slice %arg12[%mul3A_2, %dma_wait3A] : memref<10240x64xf32, #tpu.memory_space<vmem_shared>> -> memref<640x64xf32, #tpu.memory_space<vmem_shared>>
      %dma_wait3A_21 = arith.constant 0 : i32
      %dma_wait3A_22 = tpu.memref_slice %arg2[%mul3A_2, %dma_wait3A_21] : memref<10240x64xf32, #tpu.memory_space<hbm>> -> memref<640x64xf32, #tpu.memory_space<hbm>>
      tpu.wait_dma2 semaphore(%run_scoped3A : memref<!tpu.dma_semaphore, #tpu.memory_space<semaphore_mem>>) src(%dma_wait3A_22 : memref<640x64xf32, #tpu.memory_space<hbm>>) dst(%dma_wait3A_20 : memref<640x64xf32, #tpu.memory_space<vmem_shared>>)
      tpu.yield
    }) : () -> ()
    "tpu.region"() ({
      %run_scoped3A = tpu.sem_alloc : memref<!tpu.dma_semaphore, #tpu.memory_space<semaphore_mem>>
      %dma_start3A = arith.constant 0 : i32
      %dma_start3A_17 = tpu.memref_slice %arg13[%mul3A_2, %dma_start3A] : memref<10240x64xf32, #tpu.memory_space<vmem_shared>> -> memref<640x64xf32, #tpu.memory_space<vmem_shared>>
      tpu.enqueue_dma source(%arg6 : memref<640x64xf32, #tpu.memory_space<hbm>>) target(%dma_start3A_17 : memref<640x64xf32, #tpu.memory_space<vmem_shared>>) target_semaphore(%run_scoped3A : memref<!tpu.dma_semaphore, #tpu.memory_space<semaphore_mem>>)
      %dma_wait3A = arith.constant 0 : i32
      %dma_wait3A_18 = tpu.memref_slice %arg13[%mul3A_2, %dma_wait3A] : memref<10240x64xf32, #tpu.memory_space<vmem_shared>> -> memref<640x64xf32, #tpu.memory_space<vmem_shared>>
      tpu.wait_dma2 semaphore(%run_scoped3A : memref<!tpu.dma_semaphore, #tpu.memory_space<semaphore_mem>>) src(%arg6 : memref<640x64xf32, #tpu.memory_space<hbm>>) dst(%dma_wait3A_18 : memref<640x64xf32, #tpu.memory_space<vmem_shared>>)
      tpu.yield
    }) : () -> ()
    %barrier3A = arith.constant 0 : index
    tpu.barrier barrier_id(%barrier3A)
    %scan3A = arith.constant 0 : i32
    %scan3A_3 = arith.constant 0 : i32
    %scan3A_4 = arith.constant 2 : i32
    %scan3A_5 = arith.addi %scan3A_3, %scan3A_4 : i32
    %scan3A_6 = arith.constant 1 : i32
    scf.for %scan3A_17 = %scan3A_3 to %scan3A_5 step %scan3A_6  : i32 {
      %mul3A_18 = arith.constant 80 : i32
      %mul3A_19 = arith.muli %add3A, %mul3A_18 : i32
      %mul3A_20 = arith.constant 40 : i32
      %mul3A_21 = arith.muli %scan3A_17, %mul3A_20 : i32
      %add3A_22 = arith.addi %mul3A_19, %mul3A_21 : i32
      "tpu.region"() ({
        %run_scoped3A = tpu.sem_alloc : memref<!tpu.dma_semaphore, #tpu.memory_space<semaphore_mem>>
        %dma_start3A_57 = arith.constant 0 : i32
        %dma_start3A_58 = tpu.memref_slice %arg4[%add3A_22, %dma_start3A_57] : memref<2560x128xi32, #tpu.memory_space<hbm>> -> memref<40x128xi32, #tpu.memory_space<hbm>>
        %dma_start3A_59 = arith.constant 0 : i32
        %dma_start3A_60 = tpu.memref_slice %arg4[%add3A_22, %dma_start3A_59] : memref<2560x128xi32, #tpu.memory_space<hbm>> -> memref<40x128xi32, #tpu.memory_space<hbm>>
        tpu.enqueue_dma source(%dma_start3A_60 : memref<40x128xi32, #tpu.memory_space<hbm>>) target(%arg9 : memref<40x128xi32, #tpu.memory_space<vmem>>) target_semaphore(%run_scoped3A : memref<!tpu.dma_semaphore, #tpu.memory_space<semaphore_mem>>)
        %dma_wait3A_61 = arith.constant 0 : i32
        %dma_wait3A_62 = tpu.memref_slice %arg4[%add3A_22, %dma_wait3A_61] : memref<2560x128xi32, #tpu.memory_space<hbm>> -> memref<40x128xi32, #tpu.memory_space<hbm>>
        %dma_wait3A_63 = arith.constant 0 : i32
        %dma_wait3A_64 = tpu.memref_slice %arg4[%add3A_22, %dma_wait3A_63] : memref<2560x128xi32, #tpu.memory_space<hbm>> -> memref<40x128xi32, #tpu.memory_space<hbm>>
        tpu.wait_dma2 semaphore(%run_scoped3A : memref<!tpu.dma_semaphore, #tpu.memory_space<semaphore_mem>>) src(%dma_wait3A_64 : memref<40x128xi32, #tpu.memory_space<hbm>>) dst(%arg9 : memref<40x128xi32, #tpu.memory_space<vmem>>)
        tpu.yield
      }) : () -> ()
      "tpu.region"() ({
        %run_scoped3A = tpu.sem_alloc : memref<!tpu.dma_semaphore, #tpu.memory_space<semaphore_mem>>
        %dma_start3A_57 = arith.constant 0 : i32
        %dma_start3A_58 = tpu.memref_slice %arg5[%add3A_22, %dma_start3A_57] : memref<2560x128xi32, #tpu.memory_space<hbm>> -> memref<40x128xi32, #tpu.memory_space<hbm>>
        %dma_start3A_59 = arith.constant 0 : i32
        %dma_start3A_60 = tpu.memref_slice %arg5[%add3A_22, %dma_start3A_59] : memref<2560x128xi32, #tpu.memory_space<hbm>> -> memref<40x128xi32, #tpu.memory_space<hbm>>
        tpu.enqueue_dma source(%dma_start3A_60 : memref<40x128xi32, #tpu.memory_space<hbm>>) target(%arg10 : memref<40x128xi32, #tpu.memory_space<vmem>>) target_semaphore(%run_scoped3A : memref<!tpu.dma_semaphore, #tpu.memory_space<semaphore_mem>>)
        %dma_wait3A_61 = arith.constant 0 : i32
        %dma_wait3A_62 = tpu.memref_slice %arg5[%add3A_22, %dma_wait3A_61] : memref<2560x128xi32, #tpu.memory_space<hbm>> -> memref<40x128xi32, #tpu.memory_space<hbm>>
        %dma_wait3A_63 = arith.constant 0 : i32
        %dma_wait3A_64 = tpu.memref_slice %arg5[%add3A_22, %dma_wait3A_63] : memref<2560x128xi32, #tpu.memory_space<hbm>> -> memref<40x128xi32, #tpu.memory_space<hbm>>
        tpu.wait_dma2 semaphore(%run_scoped3A : memref<!tpu.dma_semaphore, #tpu.memory_space<semaphore_mem>>) src(%dma_wait3A_64 : memref<40x128xi32, #tpu.memory_space<hbm>>) dst(%arg10 : memref<40x128xi32, #tpu.memory_space<vmem>>)
        tpu.yield
      }) : () -> ()
      %dma_start3A = arith.constant 0 : i32
      %dma_start3A_23 = arith.constant 0 : i32
      %dma_start3A_24 = arith.constant 0 : i32
      %dma_start3A_25 = tpu.memref_slice %arg11[%dma_start3A_23, %dma_start3A_24] : memref<256x64xf32, #tpu.memory_space<vmem>> -> memref<128x64xf32, #tpu.memory_space<vmem>>
      %dma_start3A_26 = arith.constant 0 : i32
      %dma_start3A_27 = tpu.memref_slice %arg9[%dma_start3A, %dma_start3A_26] : memref<40x128xi32, #tpu.memory_space<vmem>> -> memref<1x128xi32, #tpu.memory_space<vmem>>
      %dma_start3A_28 = tpu.memref_squeeze %dma_start3A_27 : memref<1x128xi32, #tpu.memory_space<vmem>> -> memref<128xi32, #tpu.memory_space<vmem>>
      %dma_start3A_29 = arith.constant 0 : i32
      %dma_start3A_30 = arith.constant 0 : i32
      %dma_start3A_31 = tpu.memref_slice %arg12[%dma_start3A_29, %dma_start3A_30] : memref<10240x64xf32, #tpu.memory_space<vmem_shared>> -> memref<10240x64xf32, #tpu.memory_space<vmem_shared>>
      tpu.enqueue_indirect_dma source(%dma_start3A_31 : memref<10240x64xf32, #tpu.memory_space<vmem_shared>>) target(%dma_start3A_25 : memref<128x64xf32, #tpu.memory_space<vmem>>) offsets(%dma_start3A_28 : memref<128xi32, #tpu.memory_space<vmem>>) semaphore(%arg14 : memref<!tpu.dma_semaphore, #tpu.memory_space<semaphore_mem>>)
      %scan3A_32 = arith.constant 0 : i32
      %scan3A_33 = arith.constant 0 : i32
      %scan3A_34 = arith.constant 40 : i32
      %scan3A_35 = arith.addi %scan3A_33, %scan3A_34 : i32
      %scan3A_36 = arith.constant 1 : i32
      scf.for %scan3A_57 = %scan3A_33 to %scan3A_35 step %scan3A_36  : i32 {
        %jit3A = arith.constant 2 : i32
        %eq3A = arith.constant 0 : i32
        %eq3A_58 = arith.cmpi eq, %jit3A, %eq3A : i32
        %jit3A_59 = arith.constant 1 : i32
        %select_n3A = arith.select %eq3A_58, %jit3A_59, %jit3A : i32
        %rem3A = arith.remsi %scan3A_57, %select_n3A : i32
        %ne3A = arith.constant 0 : i32
        %ne3A_60 = arith.cmpi ne, %rem3A, %ne3A : i32
        %lt3A = arith.constant 0 : i32
        %lt3A_61 = arith.cmpi slt, %rem3A, %lt3A : i32
        %lt3A_62 = arith.constant 0 : i32
        %lt3A_63 = arith.cmpi slt, %select_n3A, %lt3A_62 : i32
        %ne3A_64 = arith.xori %lt3A_61, %lt3A_63 : i1
        %and3A = arith.andi %ne3A_64, %ne3A_60 : i1
        %add3A_65 = arith.addi %rem3A, %select_n3A : i32
        %select_n3A_66 = arith.select %and3A, %add3A_65, %rem3A : i32
        %mul3A_67 = arith.constant 128 : i32
        %mul3A_68 = arith.muli %select_n3A_66, %mul3A_67 : i32
        %dma_wait3A_69 = arith.constant 0 : i32
        %dma_wait3A_70 = tpu.memref_slice %arg11[%mul3A_68, %dma_wait3A_69] : memref<256x64xf32, #tpu.memory_space<vmem>> -> memref<128x64xf32, #tpu.memory_space<vmem>>
        %dma_wait3A_71 = arith.constant 0 : i32
        %dma_wait3A_72 = tpu.memref_slice %arg9[%scan3A_57, %dma_wait3A_71] : memref<40x128xi32, #tpu.memory_space<vmem>> -> memref<1x128xi32, #tpu.memory_space<vmem>>
        %dma_wait3A_73 = tpu.memref_squeeze %dma_wait3A_72 : memref<1x128xi32, #tpu.memory_space<vmem>> -> memref<128xi32, #tpu.memory_space<vmem>>
        %dma_wait3A_74 = arith.constant 0 : i32
        %dma_wait3A_75 = arith.constant 0 : i32
        %dma_wait3A_76 = tpu.memref_slice %arg12[%dma_wait3A_74, %dma_wait3A_75] : memref<10240x64xf32, #tpu.memory_space<vmem_shared>> -> memref<10240x64xf32, #tpu.memory_space<vmem_shared>>
        tpu.wait_indirect_dma semaphore(%arg14 : memref<!tpu.dma_semaphore, #tpu.memory_space<semaphore_mem>>) src(%dma_wait3A_76 : memref<10240x64xf32, #tpu.memory_space<vmem_shared>>) dst(%dma_wait3A_70 : memref<128x64xf32, #tpu.memory_space<vmem>>)
        %dma_start3A_77 = arith.constant 0 : i32
        %dma_start3A_78 = tpu.memref_slice %arg11[%mul3A_68, %dma_start3A_77] : memref<256x64xf32, #tpu.memory_space<vmem>> -> memref<128x64xf32, #tpu.memory_space<vmem>>
        %dma_start3A_79 = arith.constant 0 : i32
        %dma_start3A_80 = tpu.memref_slice %arg10[%scan3A_57, %dma_start3A_79] : memref<40x128xi32, #tpu.memory_space<vmem>> -> memref<1x128xi32, #tpu.memory_space<vmem>>
        %dma_start3A_81 = tpu.memref_squeeze %dma_start3A_80 : memref<1x128xi32, #tpu.memory_space<vmem>> -> memref<128xi32, #tpu.memory_space<vmem>>
        %dma_start3A_82 = arith.constant 0 : i32
        %dma_start3A_83 = arith.constant 0 : i32
        %dma_start3A_84 = tpu.memref_slice %arg13[%dma_start3A_82, %dma_start3A_83] : memref<10240x64xf32, #tpu.memory_space<vmem_shared>> -> memref<10240x64xf32, #tpu.memory_space<vmem_shared>>
        tpu.enqueue_indirect_dma source(%dma_start3A_78 : memref<128x64xf32, #tpu.memory_space<vmem>>) target(%dma_start3A_84 : memref<10240x64xf32, #tpu.memory_space<vmem_shared>>) offsets(%dma_start3A_81 : memref<128xi32, #tpu.memory_space<vmem>>) semaphore(%arg15 : memref<!tpu.dma_semaphore, #tpu.memory_space<semaphore_mem>>) {add = true}
        %add3A_85 = arith.constant 2 : i32
        %add3A_86 = arith.addi %scan3A_57, %add3A_85 : i32
        %sub3A = arith.constant 1 : i32
        %sub3A_87 = arith.subi %add3A_86, %sub3A : i32
        %lt3A_88 = arith.constant 40 : i32
        %lt3A_89 = arith.cmpi slt, %sub3A_87, %lt3A_88 : i32
        %ge3A = arith.constant 1 : i32
        %ge3A_90 = arith.cmpi sge, %scan3A_57, %ge3A : i32
        %and3A_91 = arith.andi %lt3A_89, %ge3A_90 : i1
        %convert_element_type3A = arith.extui %and3A_91 : i1 to i32
        %cond3A = arith.constant 0 : i32
        %cond3A_92 = arith.cmpi ne, %convert_element_type3A, %cond3A : i32
        scf.if %cond3A_92 {
          %sub3A_98 = arith.constant 1 : i32
          %sub3A_99 = arith.subi %scan3A_57, %sub3A_98 : i32
          %jit3A_100 = arith.constant 2 : i32
          %eq3A_101 = arith.constant 0 : i32
          %eq3A_102 = arith.cmpi eq, %jit3A_100, %eq3A_101 : i32
          %jit3A_103 = arith.constant 1 : i32
          %select_n3A_104 = arith.select %eq3A_102, %jit3A_103, %jit3A_100 : i32
          %rem3A_105 = arith.remsi %sub3A_99, %select_n3A_104 : i32
          %ne3A_106 = arith.constant 0 : i32
          %ne3A_107 = arith.cmpi ne, %rem3A_105, %ne3A_106 : i32
          %lt3A_108 = arith.constant 0 : i32
          %lt3A_109 = arith.cmpi slt, %rem3A_105, %lt3A_108 : i32
          %lt3A_110 = arith.constant 0 : i32
          %lt3A_111 = arith.cmpi slt, %select_n3A_104, %lt3A_110 : i32
          %ne3A_112 = arith.xori %lt3A_109, %lt3A_111 : i1
          %and3A_113 = arith.andi %ne3A_112, %ne3A_107 : i1
          %add3A_114 = arith.addi %rem3A_105, %select_n3A_104 : i32
          %select_n3A_115 = arith.select %and3A_113, %add3A_114, %rem3A_105 : i32
          %mul3A_116 = arith.constant 128 : i32
          %mul3A_117 = arith.muli %select_n3A_115, %mul3A_116 : i32
          %sub3A_118 = arith.constant 1 : i32
          %sub3A_119 = arith.subi %scan3A_57, %sub3A_118 : i32
          %dma_wait3A_120 = arith.constant 0 : i32
          %dma_wait3A_121 = tpu.memref_slice %arg11[%mul3A_117, %dma_wait3A_120] : memref<256x64xf32, #tpu.memory_space<vmem>> -> memref<128x64xf32, #tpu.memory_space<vmem>>
          %dma_wait3A_122 = arith.constant 0 : i32
          %dma_wait3A_123 = tpu.memref_slice %arg10[%sub3A_119, %dma_wait3A_122] : memref<40x128xi32, #tpu.memory_space<vmem>> -> memref<1x128xi32, #tpu.memory_space<vmem>>
          %dma_wait3A_124 = tpu.memref_squeeze %dma_wait3A_123 : memref<1x128xi32, #tpu.memory_space<vmem>> -> memref<128xi32, #tpu.memory_space<vmem>>
          %dma_wait3A_125 = arith.constant 0 : i32
          %dma_wait3A_126 = arith.constant 0 : i32
          %dma_wait3A_127 = tpu.memref_slice %arg13[%dma_wait3A_125, %dma_wait3A_126] : memref<10240x64xf32, #tpu.memory_space<vmem_shared>> -> memref<10240x64xf32, #tpu.memory_space<vmem_shared>>
          tpu.wait_indirect_dma semaphore(%arg15 : memref<!tpu.dma_semaphore, #tpu.memory_space<semaphore_mem>>) src(%dma_wait3A_121 : memref<128x64xf32, #tpu.memory_space<vmem>>) dst(%dma_wait3A_127 : memref<10240x64xf32, #tpu.memory_space<vmem_shared>>)
        } else {
        }
        %lt3A_93 = arith.constant 40 : i32
        %lt3A_94 = arith.cmpi slt, %sub3A_87, %lt3A_93 : i32
        %convert_element_type3A_95 = arith.extui %lt3A_94 : i1 to i32
        %cond3A_96 = arith.constant 0 : i32
        %cond3A_97 = arith.cmpi ne, %convert_element_type3A_95, %cond3A_96 : i32
        scf.if %cond3A_97 {
          %jit3A_98 = arith.constant 2 : i32
          %eq3A_99 = arith.constant 0 : i32
          %eq3A_100 = arith.cmpi eq, %jit3A_98, %eq3A_99 : i32
          %jit3A_101 = arith.constant 1 : i32
          %select_n3A_102 = arith.select %eq3A_100, %jit3A_101, %jit3A_98 : i32
          %rem3A_103 = arith.remsi %sub3A_87, %select_n3A_102 : i32
          %ne3A_104 = arith.constant 0 : i32
          %ne3A_105 = arith.cmpi ne, %rem3A_103, %ne3A_104 : i32
          %lt3A_106 = arith.constant 0 : i32
          %lt3A_107 = arith.cmpi slt, %rem3A_103, %lt3A_106 : i32
          %lt3A_108 = arith.constant 0 : i32
          %lt3A_109 = arith.cmpi slt, %select_n3A_102, %lt3A_108 : i32
          %ne3A_110 = arith.xori %lt3A_107, %lt3A_109 : i1
          %and3A_111 = arith.andi %ne3A_110, %ne3A_105 : i1
          %add3A_112 = arith.addi %rem3A_103, %select_n3A_102 : i32
          %select_n3A_113 = arith.select %and3A_111, %add3A_112, %rem3A_103 : i32
          %mul3A_114 = arith.constant 128 : i32
          %mul3A_115 = arith.muli %select_n3A_113, %mul3A_114 : i32
          %dma_start3A_116 = arith.constant 0 : i32
          %dma_start3A_117 = tpu.memref_slice %arg11[%mul3A_115, %dma_start3A_116] : memref<256x64xf32, #tpu.memory_space<vmem>> -> memref<128x64xf32, #tpu.memory_space<vmem>>
          %dma_start3A_118 = arith.constant 0 : i32
          %dma_start3A_119 = tpu.memref_slice %arg9[%sub3A_87, %dma_start3A_118] : memref<40x128xi32, #tpu.memory_space<vmem>> -> memref<1x128xi32, #tpu.memory_space<vmem>>
          %dma_start3A_120 = tpu.memref_squeeze %dma_start3A_119 : memref<1x128xi32, #tpu.memory_space<vmem>> -> memref<128xi32, #tpu.memory_space<vmem>>
          %dma_start3A_121 = arith.constant 0 : i32
          %dma_start3A_122 = arith.constant 0 : i32
          %dma_start3A_123 = tpu.memref_slice %arg12[%dma_start3A_121, %dma_start3A_122] : memref<10240x64xf32, #tpu.memory_space<vmem_shared>> -> memref<10240x64xf32, #tpu.memory_space<vmem_shared>>
          tpu.enqueue_indirect_dma source(%dma_start3A_123 : memref<10240x64xf32, #tpu.memory_space<vmem_shared>>) target(%dma_start3A_117 : memref<128x64xf32, #tpu.memory_space<vmem>>) offsets(%dma_start3A_120 : memref<128xi32, #tpu.memory_space<vmem>>) semaphore(%arg14 : memref<!tpu.dma_semaphore, #tpu.memory_space<semaphore_mem>>)
        } else {
        }
      }
      %scan3A_37 = arith.constant 40 : i32
      %dma_wait3A = arith.constant 38 : i32
      %dma_wait3A_38 = arith.constant 0 : i32
      %dma_wait3A_39 = arith.constant 0 : i32
      %dma_wait3A_40 = tpu.memref_slice %arg11[%dma_wait3A_38, %dma_wait3A_39] : memref<256x64xf32, #tpu.memory_space<vmem>> -> memref<128x64xf32, #tpu.memory_space<vmem>>
      %dma_wait3A_41 = arith.constant 0 : i32
      %dma_wait3A_42 = tpu.memref_slice %arg10[%dma_wait3A, %dma_wait3A_41] : memref<40x128xi32, #tpu.memory_space<vmem>> -> memref<1x128xi32, #tpu.memory_space<vmem>>
      %dma_wait3A_43 = tpu.memref_squeeze %dma_wait3A_42 : memref<1x128xi32, #tpu.memory_space<vmem>> -> memref<128xi32, #tpu.memory_space<vmem>>
      %dma_wait3A_44 = arith.constant 0 : i32
      %dma_wait3A_45 = arith.constant 0 : i32
      %dma_wait3A_46 = tpu.memref_slice %arg13[%dma_wait3A_44, %dma_wait3A_45] : memref<10240x64xf32, #tpu.memory_space<vmem_shared>> -> memref<10240x64xf32, #tpu.memory_space<vmem_shared>>
      tpu.wait_indirect_dma semaphore(%arg15 : memref<!tpu.dma_semaphore, #tpu.memory_space<semaphore_mem>>) src(%dma_wait3A_40 : memref<128x64xf32, #tpu.memory_space<vmem>>) dst(%dma_wait3A_46 : memref<10240x64xf32, #tpu.memory_space<vmem_shared>>)
      %dma_wait3A_47 = arith.constant 39 : i32
      %dma_wait3A_48 = arith.constant 128 : i32
      %dma_wait3A_49 = arith.constant 0 : i32
      %dma_wait3A_50 = tpu.memref_slice %arg11[%dma_wait3A_48, %dma_wait3A_49] : memref<256x64xf32, #tpu.memory_space<vmem>> -> memref<128x64xf32, #tpu.memory_space<vmem>>
      %dma_wait3A_51 = arith.constant 0 : i32
      %dma_wait3A_52 = tpu.memref_slice %arg10[%dma_wait3A_47, %dma_wait3A_51] : memref<40x128xi32, #tpu.memory_space<vmem>> -> memref<1x128xi32, #tpu.memory_space<vmem>>
      %dma_wait3A_53 = tpu.memref_squeeze %dma_wait3A_52 : memref<1x128xi32, #tpu.memory_space<vmem>> -> memref<128xi32, #tpu.memory_space<vmem>>
      %dma_wait3A_54 = arith.constant 0 : i32
      %dma_wait3A_55 = arith.constant 0 : i32
      %dma_wait3A_56 = tpu.memref_slice %arg13[%dma_wait3A_54, %dma_wait3A_55] : memref<10240x64xf32, #tpu.memory_space<vmem_shared>> -> memref<10240x64xf32, #tpu.memory_space<vmem_shared>>
      tpu.wait_indirect_dma semaphore(%arg15 : memref<!tpu.dma_semaphore, #tpu.memory_space<semaphore_mem>>) src(%dma_wait3A_50 : memref<128x64xf32, #tpu.memory_space<vmem>>) dst(%dma_wait3A_56 : memref<10240x64xf32, #tpu.memory_space<vmem_shared>>)
    }
    %scan3A_7 = arith.constant 2 : i32
    %barrier3A_8 = arith.constant 0 : index
    tpu.barrier barrier_id(%barrier3A_8)
    "tpu.region"() ({
      %run_scoped3A = tpu.sem_alloc : memref<!tpu.dma_semaphore, #tpu.memory_space<semaphore_mem>>
      %dma_start3A = arith.constant 0 : i32
      %dma_start3A_17 = tpu.memref_slice %arg7[%arg0, %mul3A_2, %dma_start3A] : memref<2x10240x64xf32, #tpu.memory_space<hbm>> -> memref<1x640x64xf32, #tpu.memory_space<hbm>>
      %dma_start3A_18 = tpu.memref_squeeze %dma_start3A_17 : memref<1x640x64xf32, #tpu.memory_space<hbm>> -> memref<640x64xf32, #tpu.memory_space<hbm>>
      %dma_start3A_19 = arith.constant 0 : i32
      %dma_start3A_20 = tpu.memref_slice %arg13[%mul3A_2, %dma_start3A_19] : memref<10240x64xf32, #tpu.memory_space<vmem_shared>> -> memref<640x64xf32, #tpu.memory_space<vmem_shared>>
      tpu.enqueue_dma source(%dma_start3A_20 : memref<640x64xf32, #tpu.memory_space<vmem_shared>>) target(%dma_start3A_18 : memref<640x64xf32, #tpu.memory_space<hbm>>) target_semaphore(%run_scoped3A : memref<!tpu.dma_semaphore, #tpu.memory_space<semaphore_mem>>)
      %dma_wait3A = arith.constant 0 : i32
      %dma_wait3A_21 = tpu.memref_slice %arg7[%arg0, %mul3A_2, %dma_wait3A] : memref<2x10240x64xf32, #tpu.memory_space<hbm>> -> memref<1x640x64xf32, #tpu.memory_space<hbm>>
      %dma_wait3A_22 = tpu.memref_squeeze %dma_wait3A_21 : memref<1x640x64xf32, #tpu.memory_space<hbm>> -> memref<640x64xf32, #tpu.memory_space<hbm>>
      %dma_wait3A_23 = arith.constant 0 : i32
      %dma_wait3A_24 = tpu.memref_slice %arg13[%mul3A_2, %dma_wait3A_23] : memref<10240x64xf32, #tpu.memory_space<vmem_shared>> -> memref<640x64xf32, #tpu.memory_space<vmem_shared>>
      tpu.wait_dma2 semaphore(%run_scoped3A : memref<!tpu.dma_semaphore, #tpu.memory_space<semaphore_mem>>) src(%dma_wait3A_24 : memref<640x64xf32, #tpu.memory_space<vmem_shared>>) dst(%dma_wait3A_22 : memref<640x64xf32, #tpu.memory_space<hbm>>)
      tpu.yield
    }) : () -> ()
    "tpu.region"() ({
      %run_scoped3A = tpu.sem_alloc : memref<!tpu.dma_semaphore, #tpu.memory_space<semaphore_mem>>
      %dma_start3A = arith.constant 0 : i32
      %dma_start3A_17 = tpu.memref_slice %arg12[%mul3A_2, %dma_start3A] : memref<10240x64xf32, #tpu.memory_space<vmem_shared>> -> memref<640x64xf32, #tpu.memory_space<vmem_shared>>
      %dma_start3A_18 = arith.constant 0 : i32
      %dma_start3A_19 = tpu.memref_slice %arg3[%mul3A_2, %dma_start3A_18] : memref<10240x64xf32, #tpu.memory_space<hbm>> -> memref<640x64xf32, #tpu.memory_space<hbm>>
      tpu.enqueue_dma source(%dma_start3A_19 : memref<640x64xf32, #tpu.memory_space<hbm>>) target(%dma_start3A_17 : memref<640x64xf32, #tpu.memory_space<vmem_shared>>) target_semaphore(%run_scoped3A : memref<!tpu.dma_semaphore, #tpu.memory_space<semaphore_mem>>)
      %dma_wait3A = arith.constant 0 : i32
      %dma_wait3A_20 = tpu.memref_slice %arg12[%mul3A_2, %dma_wait3A] : memref<10240x64xf32, #tpu.memory_space<vmem_shared>> -> memref<640x64xf32, #tpu.memory_space<vmem_shared>>
      %dma_wait3A_21 = arith.constant 0 : i32
      %dma_wait3A_22 = tpu.memref_slice %arg3[%mul3A_2, %dma_wait3A_21] : memref<10240x64xf32, #tpu.memory_space<hbm>> -> memref<640x64xf32, #tpu.memory_space<hbm>>
      tpu.wait_dma2 semaphore(%run_scoped3A : memref<!tpu.dma_semaphore, #tpu.memory_space<semaphore_mem>>) src(%dma_wait3A_22 : memref<640x64xf32, #tpu.memory_space<hbm>>) dst(%dma_wait3A_20 : memref<640x64xf32, #tpu.memory_space<vmem_shared>>)
      tpu.yield
    }) : () -> ()
    "tpu.region"() ({
      %run_scoped3A = tpu.sem_alloc : memref<!tpu.dma_semaphore, #tpu.memory_space<semaphore_mem>>
      %dma_start3A = arith.constant 0 : i32
      %dma_start3A_17 = tpu.memref_slice %arg13[%mul3A_2, %dma_start3A] : memref<10240x64xf32, #tpu.memory_space<vmem_shared>> -> memref<640x64xf32, #tpu.memory_space<vmem_shared>>
      tpu.enqueue_dma source(%arg6 : memref<640x64xf32, #tpu.memory_space<hbm>>) target(%dma_start3A_17 : memref<640x64xf32, #tpu.memory_space<vmem_shared>>) target_semaphore(%run_scoped3A : memref<!tpu.dma_semaphore, #tpu.memory_space<semaphore_mem>>)
      %dma_wait3A = arith.constant 0 : i32
      %dma_wait3A_18 = tpu.memref_slice %arg13[%mul3A_2, %dma_wait3A] : memref<10240x64xf32, #tpu.memory_space<vmem_shared>> -> memref<640x64xf32, #tpu.memory_space<vmem_shared>>
      tpu.wait_dma2 semaphore(%run_scoped3A : memref<!tpu.dma_semaphore, #tpu.memory_space<semaphore_mem>>) src(%arg6 : memref<640x64xf32, #tpu.memory_space<hbm>>) dst(%dma_wait3A_18 : memref<640x64xf32, #tpu.memory_space<vmem_shared>>)
      tpu.yield
    }) : () -> ()
    %barrier3A_9 = arith.constant 0 : index
    tpu.barrier barrier_id(%barrier3A_9)
    %scan3A_10 = arith.constant 0 : i32
    %scan3A_11 = arith.constant 0 : i32
    %scan3A_12 = arith.constant 2 : i32
    %scan3A_13 = arith.addi %scan3A_11, %scan3A_12 : i32
    %scan3A_14 = arith.constant 1 : i32
    scf.for %scan3A_17 = %scan3A_11 to %scan3A_13 step %scan3A_14  : i32 {
      %mul3A_18 = arith.constant 80 : i32
      %mul3A_19 = arith.muli %add3A, %mul3A_18 : i32
      %mul3A_20 = arith.constant 40 : i32
      %mul3A_21 = arith.muli %scan3A_17, %mul3A_20 : i32
      %add3A_22 = arith.addi %mul3A_19, %mul3A_21 : i32
      "tpu.region"() ({
        %run_scoped3A = tpu.sem_alloc : memref<!tpu.dma_semaphore, #tpu.memory_space<semaphore_mem>>
        %dma_start3A_57 = arith.constant 0 : i32
        %dma_start3A_58 = tpu.memref_slice %arg4[%add3A_22, %dma_start3A_57] : memref<2560x128xi32, #tpu.memory_space<hbm>> -> memref<40x128xi32, #tpu.memory_space<hbm>>
        %dma_start3A_59 = arith.constant 0 : i32
        %dma_start3A_60 = tpu.memref_slice %arg4[%add3A_22, %dma_start3A_59] : memref<2560x128xi32, #tpu.memory_space<hbm>> -> memref<40x128xi32, #tpu.memory_space<hbm>>
        tpu.enqueue_dma source(%dma_start3A_60 : memref<40x128xi32, #tpu.memory_space<hbm>>) target(%arg9 : memref<40x128xi32, #tpu.memory_space<vmem>>) target_semaphore(%run_scoped3A : memref<!tpu.dma_semaphore, #tpu.memory_space<semaphore_mem>>)
        %dma_wait3A_61 = arith.constant 0 : i32
        %dma_wait3A_62 = tpu.memref_slice %arg4[%add3A_22, %dma_wait3A_61] : memref<2560x128xi32, #tpu.memory_space<hbm>> -> memref<40x128xi32, #tpu.memory_space<hbm>>
        %dma_wait3A_63 = arith.constant 0 : i32
        %dma_wait3A_64 = tpu.memref_slice %arg4[%add3A_22, %dma_wait3A_63] : memref<2560x128xi32, #tpu.memory_space<hbm>> -> memref<40x128xi32, #tpu.memory_space<hbm>>
        tpu.wait_dma2 semaphore(%run_scoped3A : memref<!tpu.dma_semaphore, #tpu.memory_space<semaphore_mem>>) src(%dma_wait3A_64 : memref<40x128xi32, #tpu.memory_space<hbm>>) dst(%arg9 : memref<40x128xi32, #tpu.memory_space<vmem>>)
        tpu.yield
      }) : () -> ()
      "tpu.region"() ({
        %run_scoped3A = tpu.sem_alloc : memref<!tpu.dma_semaphore, #tpu.memory_space<semaphore_mem>>
        %dma_start3A_57 = arith.constant 0 : i32
        %dma_start3A_58 = tpu.memref_slice %arg5[%add3A_22, %dma_start3A_57] : memref<2560x128xi32, #tpu.memory_space<hbm>> -> memref<40x128xi32, #tpu.memory_space<hbm>>
        %dma_start3A_59 = arith.constant 0 : i32
        %dma_start3A_60 = tpu.memref_slice %arg5[%add3A_22, %dma_start3A_59] : memref<2560x128xi32, #tpu.memory_space<hbm>> -> memref<40x128xi32, #tpu.memory_space<hbm>>
        tpu.enqueue_dma source(%dma_start3A_60 : memref<40x128xi32, #tpu.memory_space<hbm>>) target(%arg10 : memref<40x128xi32, #tpu.memory_space<vmem>>) target_semaphore(%run_scoped3A : memref<!tpu.dma_semaphore, #tpu.memory_space<semaphore_mem>>)
        %dma_wait3A_61 = arith.constant 0 : i32
        %dma_wait3A_62 = tpu.memref_slice %arg5[%add3A_22, %dma_wait3A_61] : memref<2560x128xi32, #tpu.memory_space<hbm>> -> memref<40x128xi32, #tpu.memory_space<hbm>>
        %dma_wait3A_63 = arith.constant 0 : i32
        %dma_wait3A_64 = tpu.memref_slice %arg5[%add3A_22, %dma_wait3A_63] : memref<2560x128xi32, #tpu.memory_space<hbm>> -> memref<40x128xi32, #tpu.memory_space<hbm>>
        tpu.wait_dma2 semaphore(%run_scoped3A : memref<!tpu.dma_semaphore, #tpu.memory_space<semaphore_mem>>) src(%dma_wait3A_64 : memref<40x128xi32, #tpu.memory_space<hbm>>) dst(%arg10 : memref<40x128xi32, #tpu.memory_space<vmem>>)
        tpu.yield
      }) : () -> ()
      %dma_start3A = arith.constant 0 : i32
      %dma_start3A_23 = arith.constant 0 : i32
      %dma_start3A_24 = arith.constant 0 : i32
      %dma_start3A_25 = tpu.memref_slice %arg11[%dma_start3A_23, %dma_start3A_24] : memref<256x64xf32, #tpu.memory_space<vmem>> -> memref<128x64xf32, #tpu.memory_space<vmem>>
      %dma_start3A_26 = arith.constant 0 : i32
      %dma_start3A_27 = tpu.memref_slice %arg9[%dma_start3A, %dma_start3A_26] : memref<40x128xi32, #tpu.memory_space<vmem>> -> memref<1x128xi32, #tpu.memory_space<vmem>>
      %dma_start3A_28 = tpu.memref_squeeze %dma_start3A_27 : memref<1x128xi32, #tpu.memory_space<vmem>> -> memref<128xi32, #tpu.memory_space<vmem>>
      %dma_start3A_29 = arith.constant 0 : i32
      %dma_start3A_30 = arith.constant 0 : i32
      %dma_start3A_31 = tpu.memref_slice %arg12[%dma_start3A_29, %dma_start3A_30] : memref<10240x64xf32, #tpu.memory_space<vmem_shared>> -> memref<10240x64xf32, #tpu.memory_space<vmem_shared>>
      tpu.enqueue_indirect_dma source(%dma_start3A_31 : memref<10240x64xf32, #tpu.memory_space<vmem_shared>>) target(%dma_start3A_25 : memref<128x64xf32, #tpu.memory_space<vmem>>) offsets(%dma_start3A_28 : memref<128xi32, #tpu.memory_space<vmem>>) semaphore(%arg14 : memref<!tpu.dma_semaphore, #tpu.memory_space<semaphore_mem>>)
      %scan3A_32 = arith.constant 0 : i32
      %scan3A_33 = arith.constant 0 : i32
      %scan3A_34 = arith.constant 40 : i32
      %scan3A_35 = arith.addi %scan3A_33, %scan3A_34 : i32
      %scan3A_36 = arith.constant 1 : i32
      scf.for %scan3A_57 = %scan3A_33 to %scan3A_35 step %scan3A_36  : i32 {
        %jit3A = arith.constant 2 : i32
        %eq3A = arith.constant 0 : i32
        %eq3A_58 = arith.cmpi eq, %jit3A, %eq3A : i32
        %jit3A_59 = arith.constant 1 : i32
        %select_n3A = arith.select %eq3A_58, %jit3A_59, %jit3A : i32
        %rem3A = arith.remsi %scan3A_57, %select_n3A : i32
        %ne3A = arith.constant 0 : i32
        %ne3A_60 = arith.cmpi ne, %rem3A, %ne3A : i32
        %lt3A = arith.constant 0 : i32
        %lt3A_61 = arith.cmpi slt, %rem3A, %lt3A : i32
        %lt3A_62 = arith.constant 0 : i32
        %lt3A_63 = arith.cmpi slt, %select_n3A, %lt3A_62 : i32
        %ne3A_64 = arith.xori %lt3A_61, %lt3A_63 : i1
        %and3A = arith.andi %ne3A_64, %ne3A_60 : i1
        %add3A_65 = arith.addi %rem3A, %select_n3A : i32
        %select_n3A_66 = arith.select %and3A, %add3A_65, %rem3A : i32
        %mul3A_67 = arith.constant 128 : i32
        %mul3A_68 = arith.muli %select_n3A_66, %mul3A_67 : i32
        %dma_wait3A_69 = arith.constant 0 : i32
        %dma_wait3A_70 = tpu.memref_slice %arg11[%mul3A_68, %dma_wait3A_69] : memref<256x64xf32, #tpu.memory_space<vmem>> -> memref<128x64xf32, #tpu.memory_space<vmem>>
        %dma_wait3A_71 = arith.constant 0 : i32
        %dma_wait3A_72 = tpu.memref_slice %arg9[%scan3A_57, %dma_wait3A_71] : memref<40x128xi32, #tpu.memory_space<vmem>> -> memref<1x128xi32, #tpu.memory_space<vmem>>
        %dma_wait3A_73 = tpu.memref_squeeze %dma_wait3A_72 : memref<1x128xi32, #tpu.memory_space<vmem>> -> memref<128xi32, #tpu.memory_space<vmem>>
        %dma_wait3A_74 = arith.constant 0 : i32
        %dma_wait3A_75 = arith.constant 0 : i32
        %dma_wait3A_76 = tpu.memref_slice %arg12[%dma_wait3A_74, %dma_wait3A_75] : memref<10240x64xf32, #tpu.memory_space<vmem_shared>> -> memref<10240x64xf32, #tpu.memory_space<vmem_shared>>
        tpu.wait_indirect_dma semaphore(%arg14 : memref<!tpu.dma_semaphore, #tpu.memory_space<semaphore_mem>>) src(%dma_wait3A_76 : memref<10240x64xf32, #tpu.memory_space<vmem_shared>>) dst(%dma_wait3A_70 : memref<128x64xf32, #tpu.memory_space<vmem>>)
        %dma_start3A_77 = arith.constant 0 : i32
        %dma_start3A_78 = tpu.memref_slice %arg11[%mul3A_68, %dma_start3A_77] : memref<256x64xf32, #tpu.memory_space<vmem>> -> memref<128x64xf32, #tpu.memory_space<vmem>>
        %dma_start3A_79 = arith.constant 0 : i32
        %dma_start3A_80 = tpu.memref_slice %arg10[%scan3A_57, %dma_start3A_79] : memref<40x128xi32, #tpu.memory_space<vmem>> -> memref<1x128xi32, #tpu.memory_space<vmem>>
        %dma_start3A_81 = tpu.memref_squeeze %dma_start3A_80 : memref<1x128xi32, #tpu.memory_space<vmem>> -> memref<128xi32, #tpu.memory_space<vmem>>
        %dma_start3A_82 = arith.constant 0 : i32
        %dma_start3A_83 = arith.constant 0 : i32
        %dma_start3A_84 = tpu.memref_slice %arg13[%dma_start3A_82, %dma_start3A_83] : memref<10240x64xf32, #tpu.memory_space<vmem_shared>> -> memref<10240x64xf32, #tpu.memory_space<vmem_shared>>
        tpu.enqueue_indirect_dma source(%dma_start3A_78 : memref<128x64xf32, #tpu.memory_space<vmem>>) target(%dma_start3A_84 : memref<10240x64xf32, #tpu.memory_space<vmem_shared>>) offsets(%dma_start3A_81 : memref<128xi32, #tpu.memory_space<vmem>>) semaphore(%arg15 : memref<!tpu.dma_semaphore, #tpu.memory_space<semaphore_mem>>) {add = true}
        %add3A_85 = arith.constant 2 : i32
        %add3A_86 = arith.addi %scan3A_57, %add3A_85 : i32
        %sub3A = arith.constant 1 : i32
        %sub3A_87 = arith.subi %add3A_86, %sub3A : i32
        %lt3A_88 = arith.constant 40 : i32
        %lt3A_89 = arith.cmpi slt, %sub3A_87, %lt3A_88 : i32
        %ge3A = arith.constant 1 : i32
        %ge3A_90 = arith.cmpi sge, %scan3A_57, %ge3A : i32
        %and3A_91 = arith.andi %lt3A_89, %ge3A_90 : i1
        %convert_element_type3A = arith.extui %and3A_91 : i1 to i32
        %cond3A = arith.constant 0 : i32
        %cond3A_92 = arith.cmpi ne, %convert_element_type3A, %cond3A : i32
        scf.if %cond3A_92 {
          %sub3A_98 = arith.constant 1 : i32
          %sub3A_99 = arith.subi %scan3A_57, %sub3A_98 : i32
          %jit3A_100 = arith.constant 2 : i32
          %eq3A_101 = arith.constant 0 : i32
          %eq3A_102 = arith.cmpi eq, %jit3A_100, %eq3A_101 : i32
          %jit3A_103 = arith.constant 1 : i32
          %select_n3A_104 = arith.select %eq3A_102, %jit3A_103, %jit3A_100 : i32
          %rem3A_105 = arith.remsi %sub3A_99, %select_n3A_104 : i32
          %ne3A_106 = arith.constant 0 : i32
          %ne3A_107 = arith.cmpi ne, %rem3A_105, %ne3A_106 : i32
          %lt3A_108 = arith.constant 0 : i32
          %lt3A_109 = arith.cmpi slt, %rem3A_105, %lt3A_108 : i32
          %lt3A_110 = arith.constant 0 : i32
          %lt3A_111 = arith.cmpi slt, %select_n3A_104, %lt3A_110 : i32
          %ne3A_112 = arith.xori %lt3A_109, %lt3A_111 : i1
          %and3A_113 = arith.andi %ne3A_112, %ne3A_107 : i1
          %add3A_114 = arith.addi %rem3A_105, %select_n3A_104 : i32
          %select_n3A_115 = arith.select %and3A_113, %add3A_114, %rem3A_105 : i32
          %mul3A_116 = arith.constant 128 : i32
          %mul3A_117 = arith.muli %select_n3A_115, %mul3A_116 : i32
          %sub3A_118 = arith.constant 1 : i32
          %sub3A_119 = arith.subi %scan3A_57, %sub3A_118 : i32
          %dma_wait3A_120 = arith.constant 0 : i32
          %dma_wait3A_121 = tpu.memref_slice %arg11[%mul3A_117, %dma_wait3A_120] : memref<256x64xf32, #tpu.memory_space<vmem>> -> memref<128x64xf32, #tpu.memory_space<vmem>>
          %dma_wait3A_122 = arith.constant 0 : i32
          %dma_wait3A_123 = tpu.memref_slice %arg10[%sub3A_119, %dma_wait3A_122] : memref<40x128xi32, #tpu.memory_space<vmem>> -> memref<1x128xi32, #tpu.memory_space<vmem>>
          %dma_wait3A_124 = tpu.memref_squeeze %dma_wait3A_123 : memref<1x128xi32, #tpu.memory_space<vmem>> -> memref<128xi32, #tpu.memory_space<vmem>>
          %dma_wait3A_125 = arith.constant 0 : i32
          %dma_wait3A_126 = arith.constant 0 : i32
          %dma_wait3A_127 = tpu.memref_slice %arg13[%dma_wait3A_125, %dma_wait3A_126] : memref<10240x64xf32, #tpu.memory_space<vmem_shared>> -> memref<10240x64xf32, #tpu.memory_space<vmem_shared>>
          tpu.wait_indirect_dma semaphore(%arg15 : memref<!tpu.dma_semaphore, #tpu.memory_space<semaphore_mem>>) src(%dma_wait3A_121 : memref<128x64xf32, #tpu.memory_space<vmem>>) dst(%dma_wait3A_127 : memref<10240x64xf32, #tpu.memory_space<vmem_shared>>)
        } else {
        }
        %lt3A_93 = arith.constant 40 : i32
        %lt3A_94 = arith.cmpi slt, %sub3A_87, %lt3A_93 : i32
        %convert_element_type3A_95 = arith.extui %lt3A_94 : i1 to i32
        %cond3A_96 = arith.constant 0 : i32
        %cond3A_97 = arith.cmpi ne, %convert_element_type3A_95, %cond3A_96 : i32
        scf.if %cond3A_97 {
          %jit3A_98 = arith.constant 2 : i32
          %eq3A_99 = arith.constant 0 : i32
          %eq3A_100 = arith.cmpi eq, %jit3A_98, %eq3A_99 : i32
          %jit3A_101 = arith.constant 1 : i32
          %select_n3A_102 = arith.select %eq3A_100, %jit3A_101, %jit3A_98 : i32
          %rem3A_103 = arith.remsi %sub3A_87, %select_n3A_102 : i32
          %ne3A_104 = arith.constant 0 : i32
          %ne3A_105 = arith.cmpi ne, %rem3A_103, %ne3A_104 : i32
          %lt3A_106 = arith.constant 0 : i32
          %lt3A_107 = arith.cmpi slt, %rem3A_103, %lt3A_106 : i32
          %lt3A_108 = arith.constant 0 : i32
          %lt3A_109 = arith.cmpi slt, %select_n3A_102, %lt3A_108 : i32
          %ne3A_110 = arith.xori %lt3A_107, %lt3A_109 : i1
          %and3A_111 = arith.andi %ne3A_110, %ne3A_105 : i1
          %add3A_112 = arith.addi %rem3A_103, %select_n3A_102 : i32
          %select_n3A_113 = arith.select %and3A_111, %add3A_112, %rem3A_103 : i32
          %mul3A_114 = arith.constant 128 : i32
          %mul3A_115 = arith.muli %select_n3A_113, %mul3A_114 : i32
          %dma_start3A_116 = arith.constant 0 : i32
          %dma_start3A_117 = tpu.memref_slice %arg11[%mul3A_115, %dma_start3A_116] : memref<256x64xf32, #tpu.memory_space<vmem>> -> memref<128x64xf32, #tpu.memory_space<vmem>>
          %dma_start3A_118 = arith.constant 0 : i32
          %dma_start3A_119 = tpu.memref_slice %arg9[%sub3A_87, %dma_start3A_118] : memref<40x128xi32, #tpu.memory_space<vmem>> -> memref<1x128xi32, #tpu.memory_space<vmem>>
          %dma_start3A_120 = tpu.memref_squeeze %dma_start3A_119 : memref<1x128xi32, #tpu.memory_space<vmem>> -> memref<128xi32, #tpu.memory_space<vmem>>
          %dma_start3A_121 = arith.constant 0 : i32
          %dma_start3A_122 = arith.constant 0 : i32
          %dma_start3A_123 = tpu.memref_slice %arg12[%dma_start3A_121, %dma_start3A_122] : memref<10240x64xf32, #tpu.memory_space<vmem_shared>> -> memref<10240x64xf32, #tpu.memory_space<vmem_shared>>
          tpu.enqueue_indirect_dma source(%dma_start3A_123 : memref<10240x64xf32, #tpu.memory_space<vmem_shared>>) target(%dma_start3A_117 : memref<128x64xf32, #tpu.memory_space<vmem>>) offsets(%dma_start3A_120 : memref<128xi32, #tpu.memory_space<vmem>>) semaphore(%arg14 : memref<!tpu.dma_semaphore, #tpu.memory_space<semaphore_mem>>)
        } else {
        }
      }
      %scan3A_37 = arith.constant 40 : i32
      %dma_wait3A = arith.constant 38 : i32
      %dma_wait3A_38 = arith.constant 0 : i32
      %dma_wait3A_39 = arith.constant 0 : i32
      %dma_wait3A_40 = tpu.memref_slice %arg11[%dma_wait3A_38, %dma_wait3A_39] : memref<256x64xf32, #tpu.memory_space<vmem>> -> memref<128x64xf32, #tpu.memory_space<vmem>>
      %dma_wait3A_41 = arith.constant 0 : i32
      %dma_wait3A_42 = tpu.memref_slice %arg10[%dma_wait3A, %dma_wait3A_41] : memref<40x128xi32, #tpu.memory_space<vmem>> -> memref<1x128xi32, #tpu.memory_space<vmem>>
      %dma_wait3A_43 = tpu.memref_squeeze %dma_wait3A_42 : memref<1x128xi32, #tpu.memory_space<vmem>> -> memref<128xi32, #tpu.memory_space<vmem>>
      %dma_wait3A_44 = arith.constant 0 : i32
      %dma_wait3A_45 = arith.constant 0 : i32
      %dma_wait3A_46 = tpu.memref_slice %arg13[%dma_wait3A_44, %dma_wait3A_45] : memref<10240x64xf32, #tpu.memory_space<vmem_shared>> -> memref<10240x64xf32, #tpu.memory_space<vmem_shared>>
      tpu.wait_indirect_dma semaphore(%arg15 : memref<!tpu.dma_semaphore, #tpu.memory_space<semaphore_mem>>) src(%dma_wait3A_40 : memref<128x64xf32, #tpu.memory_space<vmem>>) dst(%dma_wait3A_46 : memref<10240x64xf32, #tpu.memory_space<vmem_shared>>)
      %dma_wait3A_47 = arith.constant 39 : i32
      %dma_wait3A_48 = arith.constant 128 : i32
      %dma_wait3A_49 = arith.constant 0 : i32
      %dma_wait3A_50 = tpu.memref_slice %arg11[%dma_wait3A_48, %dma_wait3A_49] : memref<256x64xf32, #tpu.memory_space<vmem>> -> memref<128x64xf32, #tpu.memory_space<vmem>>
      %dma_wait3A_51 = arith.constant 0 : i32
      %dma_wait3A_52 = tpu.memref_slice %arg10[%dma_wait3A_47, %dma_wait3A_51] : memref<40x128xi32, #tpu.memory_space<vmem>> -> memref<1x128xi32, #tpu.memory_space<vmem>>
      %dma_wait3A_53 = tpu.memref_squeeze %dma_wait3A_52 : memref<1x128xi32, #tpu.memory_space<vmem>> -> memref<128xi32, #tpu.memory_space<vmem>>
      %dma_wait3A_54 = arith.constant 0 : i32
      %dma_wait3A_55 = arith.constant 0 : i32
      %dma_wait3A_56 = tpu.memref_slice %arg13[%dma_wait3A_54, %dma_wait3A_55] : memref<10240x64xf32, #tpu.memory_space<vmem_shared>> -> memref<10240x64xf32, #tpu.memory_space<vmem_shared>>
      tpu.wait_indirect_dma semaphore(%arg15 : memref<!tpu.dma_semaphore, #tpu.memory_space<semaphore_mem>>) src(%dma_wait3A_50 : memref<128x64xf32, #tpu.memory_space<vmem>>) dst(%dma_wait3A_56 : memref<10240x64xf32, #tpu.memory_space<vmem_shared>>)
    }
    %scan3A_15 = arith.constant 2 : i32
    %barrier3A_16 = arith.constant 0 : index
    tpu.barrier barrier_id(%barrier3A_16)
    "tpu.region"() ({
      %run_scoped3A = tpu.sem_alloc : memref<!tpu.dma_semaphore, #tpu.memory_space<semaphore_mem>>
      %dma_start3A = arith.constant 0 : i32
      %dma_start3A_17 = tpu.memref_slice %arg8[%arg0, %mul3A_2, %dma_start3A] : memref<2x10240x64xf32, #tpu.memory_space<hbm>> -> memref<1x640x64xf32, #tpu.memory_space<hbm>>
      %dma_start3A_18 = tpu.memref_squeeze %dma_start3A_17 : memref<1x640x64xf32, #tpu.memory_space<hbm>> -> memref<640x64xf32, #tpu.memory_space<hbm>>
      %dma_start3A_19 = arith.constant 0 : i32
      %dma_start3A_20 = tpu.memref_slice %arg13[%mul3A_2, %dma_start3A_19] : memref<10240x64xf32, #tpu.memory_space<vmem_shared>> -> memref<640x64xf32, #tpu.memory_space<vmem_shared>>
      tpu.enqueue_dma source(%dma_start3A_20 : memref<640x64xf32, #tpu.memory_space<vmem_shared>>) target(%dma_start3A_18 : memref<640x64xf32, #tpu.memory_space<hbm>>) target_semaphore(%run_scoped3A : memref<!tpu.dma_semaphore, #tpu.memory_space<semaphore_mem>>)
      %dma_wait3A = arith.constant 0 : i32
      %dma_wait3A_21 = tpu.memref_slice %arg8[%arg0, %mul3A_2, %dma_wait3A] : memref<2x10240x64xf32, #tpu.memory_space<hbm>> -> memref<1x640x64xf32, #tpu.memory_space<hbm>>
      %dma_wait3A_22 = tpu.memref_squeeze %dma_wait3A_21 : memref<1x640x64xf32, #tpu.memory_space<hbm>> -> memref<640x64xf32, #tpu.memory_space<hbm>>
      %dma_wait3A_23 = arith.constant 0 : i32
      %dma_wait3A_24 = tpu.memref_slice %arg13[%mul3A_2, %dma_wait3A_23] : memref<10240x64xf32, #tpu.memory_space<vmem_shared>> -> memref<640x64xf32, #tpu.memory_space<vmem_shared>>
      tpu.wait_dma2 semaphore(%run_scoped3A : memref<!tpu.dma_semaphore, #tpu.memory_space<semaphore_mem>>) src(%dma_wait3A_24 : memref<640x64xf32, #tpu.memory_space<vmem_shared>>) dst(%dma_wait3A_22 : memref<640x64xf32, #tpu.memory_space<hbm>>)
      tpu.yield
    }) : () -> ()
    return
  }
}

#map = affine_map<(d0, d1) -> (0, 0)>
#map1 = affine_map<(d0, d1) -> (0, 0, 0)>
module attributes {stable_mosaic.version = 14 : i64} {
  func.func @segsum(%arg0: i32, %arg1: i32, %arg2: memref<10240x64xf32, #tpu.memory_space<hbm>>, %arg3: memref<2560x128xi32, #tpu.memory_space<hbm>>, %arg4: memref<2560x128xi32, #tpu.memory_space<hbm>>, %arg5: memref<640x64xf32, #tpu.memory_space<hbm>>, %arg6: memref<2x10240x64xf32, #tpu.memory_space<hbm>>, %arg7: memref<40x128xi32, #tpu.memory_space<vmem>>, %arg8: memref<40x128xi32, #tpu.memory_space<vmem>>, %arg9: memref<256x64xf32, #tpu.memory_space<vmem>>, %arg10: memref<10240x64xf32, #tpu.memory_space<vmem_shared>>, %arg11: memref<10240x64xf32, #tpu.memory_space<vmem_shared>>, %arg12: memref<!tpu.dma_semaphore, #tpu.memory_space<semaphore_mem>>, %arg13: memref<!tpu.dma_semaphore, #tpu.memory_space<semaphore_mem>>) attributes {dimension_semantics = [#tpu.dimension_semantics<core_parallel>, #tpu.dimension_semantics<subcore_parallel>], iteration_bounds = array<i64: 2, 16>, scalar_prefetch = 0 : i64, scratch_operands = 7 : i64, tpu.core_type = #tpu.core_type<sc_vector_subcore>, window_params = [{transform_indices = #map}, {transform_indices = #map}, {transform_indices = #map}, {transform_indices = #map}, {transform_indices = #map1}]} {
    %mul3A = arith.constant 16 : i32
    %mul3A_0 = arith.muli %arg0, %mul3A : i32
    %add3A = arith.addi %mul3A_0, %arg1 : i32
    %mul3A_1 = arith.constant 640 : i32
    %mul3A_2 = arith.muli %arg1, %mul3A_1 : i32
    "tpu.region"() ({
      %run_scoped3A = tpu.sem_alloc : memref<!tpu.dma_semaphore, #tpu.memory_space<semaphore_mem>>
      %dma_start3A = arith.constant 0 : i32
      %dma_start3A_9 = tpu.memref_slice %arg10[%mul3A_2, %dma_start3A] : memref<10240x64xf32, #tpu.memory_space<vmem_shared>> -> memref<640x64xf32, #tpu.memory_space<vmem_shared>>
      %dma_start3A_10 = arith.constant 0 : i32
      %dma_start3A_11 = tpu.memref_slice %arg2[%mul3A_2, %dma_start3A_10] : memref<10240x64xf32, #tpu.memory_space<hbm>> -> memref<640x64xf32, #tpu.memory_space<hbm>>
      tpu.enqueue_dma source(%dma_start3A_11 : memref<640x64xf32, #tpu.memory_space<hbm>>) target(%dma_start3A_9 : memref<640x64xf32, #tpu.memory_space<vmem_shared>>) target_semaphore(%run_scoped3A : memref<!tpu.dma_semaphore, #tpu.memory_space<semaphore_mem>>)
      %dma_wait3A = arith.constant 0 : i32
      %dma_wait3A_12 = tpu.memref_slice %arg10[%mul3A_2, %dma_wait3A] : memref<10240x64xf32, #tpu.memory_space<vmem_shared>> -> memref<640x64xf32, #tpu.memory_space<vmem_shared>>
      %dma_wait3A_13 = arith.constant 0 : i32
      %dma_wait3A_14 = tpu.memref_slice %arg2[%mul3A_2, %dma_wait3A_13] : memref<10240x64xf32, #tpu.memory_space<hbm>> -> memref<640x64xf32, #tpu.memory_space<hbm>>
      tpu.wait_dma2 semaphore(%run_scoped3A : memref<!tpu.dma_semaphore, #tpu.memory_space<semaphore_mem>>) src(%dma_wait3A_14 : memref<640x64xf32, #tpu.memory_space<hbm>>) dst(%dma_wait3A_12 : memref<640x64xf32, #tpu.memory_space<vmem_shared>>)
      tpu.yield
    }) : () -> ()
    "tpu.region"() ({
      %run_scoped3A = tpu.sem_alloc : memref<!tpu.dma_semaphore, #tpu.memory_space<semaphore_mem>>
      %dma_start3A = arith.constant 0 : i32
      %dma_start3A_9 = tpu.memref_slice %arg11[%mul3A_2, %dma_start3A] : memref<10240x64xf32, #tpu.memory_space<vmem_shared>> -> memref<640x64xf32, #tpu.memory_space<vmem_shared>>
      tpu.enqueue_dma source(%arg5 : memref<640x64xf32, #tpu.memory_space<hbm>>) target(%dma_start3A_9 : memref<640x64xf32, #tpu.memory_space<vmem_shared>>) target_semaphore(%run_scoped3A : memref<!tpu.dma_semaphore, #tpu.memory_space<semaphore_mem>>)
      %dma_wait3A = arith.constant 0 : i32
      %dma_wait3A_10 = tpu.memref_slice %arg11[%mul3A_2, %dma_wait3A] : memref<10240x64xf32, #tpu.memory_space<vmem_shared>> -> memref<640x64xf32, #tpu.memory_space<vmem_shared>>
      tpu.wait_dma2 semaphore(%run_scoped3A : memref<!tpu.dma_semaphore, #tpu.memory_space<semaphore_mem>>) src(%arg5 : memref<640x64xf32, #tpu.memory_space<hbm>>) dst(%dma_wait3A_10 : memref<640x64xf32, #tpu.memory_space<vmem_shared>>)
      tpu.yield
    }) : () -> ()
    %barrier3A = arith.constant 0 : index
    tpu.barrier barrier_id(%barrier3A)
    %scan3A = arith.constant 0 : i32
    %scan3A_3 = arith.constant 0 : i32
    %scan3A_4 = arith.constant 2 : i32
    %scan3A_5 = arith.addi %scan3A_3, %scan3A_4 : i32
    %scan3A_6 = arith.constant 1 : i32
    scf.for %scan3A_9 = %scan3A_3 to %scan3A_5 step %scan3A_6  : i32 {
      %mul3A_10 = arith.constant 80 : i32
      %mul3A_11 = arith.muli %add3A, %mul3A_10 : i32
      %mul3A_12 = arith.constant 40 : i32
      %mul3A_13 = arith.muli %scan3A_9, %mul3A_12 : i32
      %add3A_14 = arith.addi %mul3A_11, %mul3A_13 : i32
      "tpu.region"() ({
        %run_scoped3A = tpu.sem_alloc : memref<!tpu.dma_semaphore, #tpu.memory_space<semaphore_mem>>
        %dma_start3A_49 = arith.constant 0 : i32
        %dma_start3A_50 = tpu.memref_slice %arg3[%add3A_14, %dma_start3A_49] : memref<2560x128xi32, #tpu.memory_space<hbm>> -> memref<40x128xi32, #tpu.memory_space<hbm>>
        %dma_start3A_51 = arith.constant 0 : i32
        %dma_start3A_52 = tpu.memref_slice %arg3[%add3A_14, %dma_start3A_51] : memref<2560x128xi32, #tpu.memory_space<hbm>> -> memref<40x128xi32, #tpu.memory_space<hbm>>
        tpu.enqueue_dma source(%dma_start3A_52 : memref<40x128xi32, #tpu.memory_space<hbm>>) target(%arg7 : memref<40x128xi32, #tpu.memory_space<vmem>>) target_semaphore(%run_scoped3A : memref<!tpu.dma_semaphore, #tpu.memory_space<semaphore_mem>>)
        %dma_wait3A_53 = arith.constant 0 : i32
        %dma_wait3A_54 = tpu.memref_slice %arg3[%add3A_14, %dma_wait3A_53] : memref<2560x128xi32, #tpu.memory_space<hbm>> -> memref<40x128xi32, #tpu.memory_space<hbm>>
        %dma_wait3A_55 = arith.constant 0 : i32
        %dma_wait3A_56 = tpu.memref_slice %arg3[%add3A_14, %dma_wait3A_55] : memref<2560x128xi32, #tpu.memory_space<hbm>> -> memref<40x128xi32, #tpu.memory_space<hbm>>
        tpu.wait_dma2 semaphore(%run_scoped3A : memref<!tpu.dma_semaphore, #tpu.memory_space<semaphore_mem>>) src(%dma_wait3A_56 : memref<40x128xi32, #tpu.memory_space<hbm>>) dst(%arg7 : memref<40x128xi32, #tpu.memory_space<vmem>>)
        tpu.yield
      }) : () -> ()
      "tpu.region"() ({
        %run_scoped3A = tpu.sem_alloc : memref<!tpu.dma_semaphore, #tpu.memory_space<semaphore_mem>>
        %dma_start3A_49 = arith.constant 0 : i32
        %dma_start3A_50 = tpu.memref_slice %arg4[%add3A_14, %dma_start3A_49] : memref<2560x128xi32, #tpu.memory_space<hbm>> -> memref<40x128xi32, #tpu.memory_space<hbm>>
        %dma_start3A_51 = arith.constant 0 : i32
        %dma_start3A_52 = tpu.memref_slice %arg4[%add3A_14, %dma_start3A_51] : memref<2560x128xi32, #tpu.memory_space<hbm>> -> memref<40x128xi32, #tpu.memory_space<hbm>>
        tpu.enqueue_dma source(%dma_start3A_52 : memref<40x128xi32, #tpu.memory_space<hbm>>) target(%arg8 : memref<40x128xi32, #tpu.memory_space<vmem>>) target_semaphore(%run_scoped3A : memref<!tpu.dma_semaphore, #tpu.memory_space<semaphore_mem>>)
        %dma_wait3A_53 = arith.constant 0 : i32
        %dma_wait3A_54 = tpu.memref_slice %arg4[%add3A_14, %dma_wait3A_53] : memref<2560x128xi32, #tpu.memory_space<hbm>> -> memref<40x128xi32, #tpu.memory_space<hbm>>
        %dma_wait3A_55 = arith.constant 0 : i32
        %dma_wait3A_56 = tpu.memref_slice %arg4[%add3A_14, %dma_wait3A_55] : memref<2560x128xi32, #tpu.memory_space<hbm>> -> memref<40x128xi32, #tpu.memory_space<hbm>>
        tpu.wait_dma2 semaphore(%run_scoped3A : memref<!tpu.dma_semaphore, #tpu.memory_space<semaphore_mem>>) src(%dma_wait3A_56 : memref<40x128xi32, #tpu.memory_space<hbm>>) dst(%arg8 : memref<40x128xi32, #tpu.memory_space<vmem>>)
        tpu.yield
      }) : () -> ()
      %dma_start3A = arith.constant 0 : i32
      %dma_start3A_15 = arith.constant 0 : i32
      %dma_start3A_16 = arith.constant 0 : i32
      %dma_start3A_17 = tpu.memref_slice %arg9[%dma_start3A_15, %dma_start3A_16] : memref<256x64xf32, #tpu.memory_space<vmem>> -> memref<128x64xf32, #tpu.memory_space<vmem>>
      %dma_start3A_18 = arith.constant 0 : i32
      %dma_start3A_19 = tpu.memref_slice %arg7[%dma_start3A, %dma_start3A_18] : memref<40x128xi32, #tpu.memory_space<vmem>> -> memref<1x128xi32, #tpu.memory_space<vmem>>
      %dma_start3A_20 = tpu.memref_squeeze %dma_start3A_19 : memref<1x128xi32, #tpu.memory_space<vmem>> -> memref<128xi32, #tpu.memory_space<vmem>>
      %dma_start3A_21 = arith.constant 0 : i32
      %dma_start3A_22 = arith.constant 0 : i32
      %dma_start3A_23 = tpu.memref_slice %arg10[%dma_start3A_21, %dma_start3A_22] : memref<10240x64xf32, #tpu.memory_space<vmem_shared>> -> memref<10240x64xf32, #tpu.memory_space<vmem_shared>>
      tpu.enqueue_indirect_dma source(%dma_start3A_23 : memref<10240x64xf32, #tpu.memory_space<vmem_shared>>) target(%dma_start3A_17 : memref<128x64xf32, #tpu.memory_space<vmem>>) offsets(%dma_start3A_20 : memref<128xi32, #tpu.memory_space<vmem>>) semaphore(%arg12 : memref<!tpu.dma_semaphore, #tpu.memory_space<semaphore_mem>>)
      %scan3A_24 = arith.constant 0 : i32
      %scan3A_25 = arith.constant 0 : i32
      %scan3A_26 = arith.constant 40 : i32
      %scan3A_27 = arith.addi %scan3A_25, %scan3A_26 : i32
      %scan3A_28 = arith.constant 1 : i32
      scf.for %scan3A_49 = %scan3A_25 to %scan3A_27 step %scan3A_28  : i32 {
        %jit3A = arith.constant 2 : i32
        %eq3A = arith.constant 0 : i32
        %eq3A_50 = arith.cmpi eq, %jit3A, %eq3A : i32
        %jit3A_51 = arith.constant 1 : i32
        %select_n3A = arith.select %eq3A_50, %jit3A_51, %jit3A : i32
        %rem3A = arith.remsi %scan3A_49, %select_n3A : i32
        %ne3A = arith.constant 0 : i32
        %ne3A_52 = arith.cmpi ne, %rem3A, %ne3A : i32
        %lt3A = arith.constant 0 : i32
        %lt3A_53 = arith.cmpi slt, %rem3A, %lt3A : i32
        %lt3A_54 = arith.constant 0 : i32
        %lt3A_55 = arith.cmpi slt, %select_n3A, %lt3A_54 : i32
        %ne3A_56 = arith.xori %lt3A_53, %lt3A_55 : i1
        %and3A = arith.andi %ne3A_56, %ne3A_52 : i1
        %add3A_57 = arith.addi %rem3A, %select_n3A : i32
        %select_n3A_58 = arith.select %and3A, %add3A_57, %rem3A : i32
        %mul3A_59 = arith.constant 128 : i32
        %mul3A_60 = arith.muli %select_n3A_58, %mul3A_59 : i32
        %dma_wait3A_61 = arith.constant 0 : i32
        %dma_wait3A_62 = tpu.memref_slice %arg9[%mul3A_60, %dma_wait3A_61] : memref<256x64xf32, #tpu.memory_space<vmem>> -> memref<128x64xf32, #tpu.memory_space<vmem>>
        %dma_wait3A_63 = arith.constant 0 : i32
        %dma_wait3A_64 = tpu.memref_slice %arg7[%scan3A_49, %dma_wait3A_63] : memref<40x128xi32, #tpu.memory_space<vmem>> -> memref<1x128xi32, #tpu.memory_space<vmem>>
        %dma_wait3A_65 = tpu.memref_squeeze %dma_wait3A_64 : memref<1x128xi32, #tpu.memory_space<vmem>> -> memref<128xi32, #tpu.memory_space<vmem>>
        %dma_wait3A_66 = arith.constant 0 : i32
        %dma_wait3A_67 = arith.constant 0 : i32
        %dma_wait3A_68 = tpu.memref_slice %arg10[%dma_wait3A_66, %dma_wait3A_67] : memref<10240x64xf32, #tpu.memory_space<vmem_shared>> -> memref<10240x64xf32, #tpu.memory_space<vmem_shared>>
        tpu.wait_indirect_dma semaphore(%arg12 : memref<!tpu.dma_semaphore, #tpu.memory_space<semaphore_mem>>) src(%dma_wait3A_68 : memref<10240x64xf32, #tpu.memory_space<vmem_shared>>) dst(%dma_wait3A_62 : memref<128x64xf32, #tpu.memory_space<vmem>>)
        %dma_start3A_69 = arith.constant 0 : i32
        %dma_start3A_70 = tpu.memref_slice %arg9[%mul3A_60, %dma_start3A_69] : memref<256x64xf32, #tpu.memory_space<vmem>> -> memref<128x64xf32, #tpu.memory_space<vmem>>
        %dma_start3A_71 = arith.constant 0 : i32
        %dma_start3A_72 = tpu.memref_slice %arg8[%scan3A_49, %dma_start3A_71] : memref<40x128xi32, #tpu.memory_space<vmem>> -> memref<1x128xi32, #tpu.memory_space<vmem>>
        %dma_start3A_73 = tpu.memref_squeeze %dma_start3A_72 : memref<1x128xi32, #tpu.memory_space<vmem>> -> memref<128xi32, #tpu.memory_space<vmem>>
        %dma_start3A_74 = arith.constant 0 : i32
        %dma_start3A_75 = arith.constant 0 : i32
        %dma_start3A_76 = tpu.memref_slice %arg11[%dma_start3A_74, %dma_start3A_75] : memref<10240x64xf32, #tpu.memory_space<vmem_shared>> -> memref<10240x64xf32, #tpu.memory_space<vmem_shared>>
        tpu.enqueue_indirect_dma source(%dma_start3A_70 : memref<128x64xf32, #tpu.memory_space<vmem>>) target(%dma_start3A_76 : memref<10240x64xf32, #tpu.memory_space<vmem_shared>>) offsets(%dma_start3A_73 : memref<128xi32, #tpu.memory_space<vmem>>) semaphore(%arg13 : memref<!tpu.dma_semaphore, #tpu.memory_space<semaphore_mem>>) {add = true}
        %add3A_77 = arith.constant 2 : i32
        %add3A_78 = arith.addi %scan3A_49, %add3A_77 : i32
        %sub3A = arith.constant 1 : i32
        %sub3A_79 = arith.subi %add3A_78, %sub3A : i32
        %lt3A_80 = arith.constant 40 : i32
        %lt3A_81 = arith.cmpi slt, %sub3A_79, %lt3A_80 : i32
        %ge3A = arith.constant 1 : i32
        %ge3A_82 = arith.cmpi sge, %scan3A_49, %ge3A : i32
        %and3A_83 = arith.andi %lt3A_81, %ge3A_82 : i1
        %convert_element_type3A = arith.extui %and3A_83 : i1 to i32
        %cond3A = arith.constant 0 : i32
        %cond3A_84 = arith.cmpi ne, %convert_element_type3A, %cond3A : i32
        scf.if %cond3A_84 {
          %sub3A_90 = arith.constant 1 : i32
          %sub3A_91 = arith.subi %scan3A_49, %sub3A_90 : i32
          %jit3A_92 = arith.constant 2 : i32
          %eq3A_93 = arith.constant 0 : i32
          %eq3A_94 = arith.cmpi eq, %jit3A_92, %eq3A_93 : i32
          %jit3A_95 = arith.constant 1 : i32
          %select_n3A_96 = arith.select %eq3A_94, %jit3A_95, %jit3A_92 : i32
          %rem3A_97 = arith.remsi %sub3A_91, %select_n3A_96 : i32
          %ne3A_98 = arith.constant 0 : i32
          %ne3A_99 = arith.cmpi ne, %rem3A_97, %ne3A_98 : i32
          %lt3A_100 = arith.constant 0 : i32
          %lt3A_101 = arith.cmpi slt, %rem3A_97, %lt3A_100 : i32
          %lt3A_102 = arith.constant 0 : i32
          %lt3A_103 = arith.cmpi slt, %select_n3A_96, %lt3A_102 : i32
          %ne3A_104 = arith.xori %lt3A_101, %lt3A_103 : i1
          %and3A_105 = arith.andi %ne3A_104, %ne3A_99 : i1
          %add3A_106 = arith.addi %rem3A_97, %select_n3A_96 : i32
          %select_n3A_107 = arith.select %and3A_105, %add3A_106, %rem3A_97 : i32
          %mul3A_108 = arith.constant 128 : i32
          %mul3A_109 = arith.muli %select_n3A_107, %mul3A_108 : i32
          %sub3A_110 = arith.constant 1 : i32
          %sub3A_111 = arith.subi %scan3A_49, %sub3A_110 : i32
          %dma_wait3A_112 = arith.constant 0 : i32
          %dma_wait3A_113 = tpu.memref_slice %arg9[%mul3A_109, %dma_wait3A_112] : memref<256x64xf32, #tpu.memory_space<vmem>> -> memref<128x64xf32, #tpu.memory_space<vmem>>
          %dma_wait3A_114 = arith.constant 0 : i32
          %dma_wait3A_115 = tpu.memref_slice %arg8[%sub3A_111, %dma_wait3A_114] : memref<40x128xi32, #tpu.memory_space<vmem>> -> memref<1x128xi32, #tpu.memory_space<vmem>>
          %dma_wait3A_116 = tpu.memref_squeeze %dma_wait3A_115 : memref<1x128xi32, #tpu.memory_space<vmem>> -> memref<128xi32, #tpu.memory_space<vmem>>
          %dma_wait3A_117 = arith.constant 0 : i32
          %dma_wait3A_118 = arith.constant 0 : i32
          %dma_wait3A_119 = tpu.memref_slice %arg11[%dma_wait3A_117, %dma_wait3A_118] : memref<10240x64xf32, #tpu.memory_space<vmem_shared>> -> memref<10240x64xf32, #tpu.memory_space<vmem_shared>>
          tpu.wait_indirect_dma semaphore(%arg13 : memref<!tpu.dma_semaphore, #tpu.memory_space<semaphore_mem>>) src(%dma_wait3A_113 : memref<128x64xf32, #tpu.memory_space<vmem>>) dst(%dma_wait3A_119 : memref<10240x64xf32, #tpu.memory_space<vmem_shared>>)
        } else {
        }
        %lt3A_85 = arith.constant 40 : i32
        %lt3A_86 = arith.cmpi slt, %sub3A_79, %lt3A_85 : i32
        %convert_element_type3A_87 = arith.extui %lt3A_86 : i1 to i32
        %cond3A_88 = arith.constant 0 : i32
        %cond3A_89 = arith.cmpi ne, %convert_element_type3A_87, %cond3A_88 : i32
        scf.if %cond3A_89 {
          %jit3A_90 = arith.constant 2 : i32
          %eq3A_91 = arith.constant 0 : i32
          %eq3A_92 = arith.cmpi eq, %jit3A_90, %eq3A_91 : i32
          %jit3A_93 = arith.constant 1 : i32
          %select_n3A_94 = arith.select %eq3A_92, %jit3A_93, %jit3A_90 : i32
          %rem3A_95 = arith.remsi %sub3A_79, %select_n3A_94 : i32
          %ne3A_96 = arith.constant 0 : i32
          %ne3A_97 = arith.cmpi ne, %rem3A_95, %ne3A_96 : i32
          %lt3A_98 = arith.constant 0 : i32
          %lt3A_99 = arith.cmpi slt, %rem3A_95, %lt3A_98 : i32
          %lt3A_100 = arith.constant 0 : i32
          %lt3A_101 = arith.cmpi slt, %select_n3A_94, %lt3A_100 : i32
          %ne3A_102 = arith.xori %lt3A_99, %lt3A_101 : i1
          %and3A_103 = arith.andi %ne3A_102, %ne3A_97 : i1
          %add3A_104 = arith.addi %rem3A_95, %select_n3A_94 : i32
          %select_n3A_105 = arith.select %and3A_103, %add3A_104, %rem3A_95 : i32
          %mul3A_106 = arith.constant 128 : i32
          %mul3A_107 = arith.muli %select_n3A_105, %mul3A_106 : i32
          %dma_start3A_108 = arith.constant 0 : i32
          %dma_start3A_109 = tpu.memref_slice %arg9[%mul3A_107, %dma_start3A_108] : memref<256x64xf32, #tpu.memory_space<vmem>> -> memref<128x64xf32, #tpu.memory_space<vmem>>
          %dma_start3A_110 = arith.constant 0 : i32
          %dma_start3A_111 = tpu.memref_slice %arg7[%sub3A_79, %dma_start3A_110] : memref<40x128xi32, #tpu.memory_space<vmem>> -> memref<1x128xi32, #tpu.memory_space<vmem>>
          %dma_start3A_112 = tpu.memref_squeeze %dma_start3A_111 : memref<1x128xi32, #tpu.memory_space<vmem>> -> memref<128xi32, #tpu.memory_space<vmem>>
          %dma_start3A_113 = arith.constant 0 : i32
          %dma_start3A_114 = arith.constant 0 : i32
          %dma_start3A_115 = tpu.memref_slice %arg10[%dma_start3A_113, %dma_start3A_114] : memref<10240x64xf32, #tpu.memory_space<vmem_shared>> -> memref<10240x64xf32, #tpu.memory_space<vmem_shared>>
          tpu.enqueue_indirect_dma source(%dma_start3A_115 : memref<10240x64xf32, #tpu.memory_space<vmem_shared>>) target(%dma_start3A_109 : memref<128x64xf32, #tpu.memory_space<vmem>>) offsets(%dma_start3A_112 : memref<128xi32, #tpu.memory_space<vmem>>) semaphore(%arg12 : memref<!tpu.dma_semaphore, #tpu.memory_space<semaphore_mem>>)
        } else {
        }
      }
      %scan3A_29 = arith.constant 40 : i32
      %dma_wait3A = arith.constant 38 : i32
      %dma_wait3A_30 = arith.constant 0 : i32
      %dma_wait3A_31 = arith.constant 0 : i32
      %dma_wait3A_32 = tpu.memref_slice %arg9[%dma_wait3A_30, %dma_wait3A_31] : memref<256x64xf32, #tpu.memory_space<vmem>> -> memref<128x64xf32, #tpu.memory_space<vmem>>
      %dma_wait3A_33 = arith.constant 0 : i32
      %dma_wait3A_34 = tpu.memref_slice %arg8[%dma_wait3A, %dma_wait3A_33] : memref<40x128xi32, #tpu.memory_space<vmem>> -> memref<1x128xi32, #tpu.memory_space<vmem>>
      %dma_wait3A_35 = tpu.memref_squeeze %dma_wait3A_34 : memref<1x128xi32, #tpu.memory_space<vmem>> -> memref<128xi32, #tpu.memory_space<vmem>>
      %dma_wait3A_36 = arith.constant 0 : i32
      %dma_wait3A_37 = arith.constant 0 : i32
      %dma_wait3A_38 = tpu.memref_slice %arg11[%dma_wait3A_36, %dma_wait3A_37] : memref<10240x64xf32, #tpu.memory_space<vmem_shared>> -> memref<10240x64xf32, #tpu.memory_space<vmem_shared>>
      tpu.wait_indirect_dma semaphore(%arg13 : memref<!tpu.dma_semaphore, #tpu.memory_space<semaphore_mem>>) src(%dma_wait3A_32 : memref<128x64xf32, #tpu.memory_space<vmem>>) dst(%dma_wait3A_38 : memref<10240x64xf32, #tpu.memory_space<vmem_shared>>)
      %dma_wait3A_39 = arith.constant 39 : i32
      %dma_wait3A_40 = arith.constant 128 : i32
      %dma_wait3A_41 = arith.constant 0 : i32
      %dma_wait3A_42 = tpu.memref_slice %arg9[%dma_wait3A_40, %dma_wait3A_41] : memref<256x64xf32, #tpu.memory_space<vmem>> -> memref<128x64xf32, #tpu.memory_space<vmem>>
      %dma_wait3A_43 = arith.constant 0 : i32
      %dma_wait3A_44 = tpu.memref_slice %arg8[%dma_wait3A_39, %dma_wait3A_43] : memref<40x128xi32, #tpu.memory_space<vmem>> -> memref<1x128xi32, #tpu.memory_space<vmem>>
      %dma_wait3A_45 = tpu.memref_squeeze %dma_wait3A_44 : memref<1x128xi32, #tpu.memory_space<vmem>> -> memref<128xi32, #tpu.memory_space<vmem>>
      %dma_wait3A_46 = arith.constant 0 : i32
      %dma_wait3A_47 = arith.constant 0 : i32
      %dma_wait3A_48 = tpu.memref_slice %arg11[%dma_wait3A_46, %dma_wait3A_47] : memref<10240x64xf32, #tpu.memory_space<vmem_shared>> -> memref<10240x64xf32, #tpu.memory_space<vmem_shared>>
      tpu.wait_indirect_dma semaphore(%arg13 : memref<!tpu.dma_semaphore, #tpu.memory_space<semaphore_mem>>) src(%dma_wait3A_42 : memref<128x64xf32, #tpu.memory_space<vmem>>) dst(%dma_wait3A_48 : memref<10240x64xf32, #tpu.memory_space<vmem_shared>>)
    }
    %scan3A_7 = arith.constant 2 : i32
    %barrier3A_8 = arith.constant 0 : index
    tpu.barrier barrier_id(%barrier3A_8)
    "tpu.region"() ({
      %run_scoped3A = tpu.sem_alloc : memref<!tpu.dma_semaphore, #tpu.memory_space<semaphore_mem>>
      %dma_start3A = arith.constant 0 : i32
      %dma_start3A_9 = tpu.memref_slice %arg6[%arg0, %mul3A_2, %dma_start3A] : memref<2x10240x64xf32, #tpu.memory_space<hbm>> -> memref<1x640x64xf32, #tpu.memory_space<hbm>>
      %dma_start3A_10 = tpu.memref_squeeze %dma_start3A_9 : memref<1x640x64xf32, #tpu.memory_space<hbm>> -> memref<640x64xf32, #tpu.memory_space<hbm>>
      %dma_start3A_11 = arith.constant 0 : i32
      %dma_start3A_12 = tpu.memref_slice %arg11[%mul3A_2, %dma_start3A_11] : memref<10240x64xf32, #tpu.memory_space<vmem_shared>> -> memref<640x64xf32, #tpu.memory_space<vmem_shared>>
      tpu.enqueue_dma source(%dma_start3A_12 : memref<640x64xf32, #tpu.memory_space<vmem_shared>>) target(%dma_start3A_10 : memref<640x64xf32, #tpu.memory_space<hbm>>) target_semaphore(%run_scoped3A : memref<!tpu.dma_semaphore, #tpu.memory_space<semaphore_mem>>)
      %dma_wait3A = arith.constant 0 : i32
      %dma_wait3A_13 = tpu.memref_slice %arg6[%arg0, %mul3A_2, %dma_wait3A] : memref<2x10240x64xf32, #tpu.memory_space<hbm>> -> memref<1x640x64xf32, #tpu.memory_space<hbm>>
      %dma_wait3A_14 = tpu.memref_squeeze %dma_wait3A_13 : memref<1x640x64xf32, #tpu.memory_space<hbm>> -> memref<640x64xf32, #tpu.memory_space<hbm>>
      %dma_wait3A_15 = arith.constant 0 : i32
      %dma_wait3A_16 = tpu.memref_slice %arg11[%mul3A_2, %dma_wait3A_15] : memref<10240x64xf32, #tpu.memory_space<vmem_shared>> -> memref<640x64xf32, #tpu.memory_space<vmem_shared>>
      tpu.wait_dma2 semaphore(%run_scoped3A : memref<!tpu.dma_semaphore, #tpu.memory_space<semaphore_mem>>) src(%dma_wait3A_16 : memref<640x64xf32, #tpu.memory_space<vmem_shared>>) dst(%dma_wait3A_14 : memref<640x64xf32, #tpu.memory_space<hbm>>)
      tpu.yield
    }) : () -> ()
    return
  }
}

module attributes {stable_mosaic.version = 14 : i64} {
  func.func @_pre_body(%arg0: i32, %arg1: memref<1024x128xf32, #tpu.memory_space<vmem>>, %arg2: memref<128x64xf32, #tpu.memory_space<vmem>>, %arg3: memref<128x64xf32, #tpu.memory_space<vmem>>, %arg4: memref<1x64xf32, #tpu.memory_space<vmem>>, %arg5: memref<1024x64xf32, #tpu.memory_space<vmem>>, %arg6: memref<1024x64xf32, #tpu.memory_space<vmem>>) attributes {dimension_semantics = [#tpu.dimension_semantics<arbitrary>], iteration_bounds = array<i64: 10>, scalar_prefetch = 0 : i64, scratch_operands = 0 : i64, tpu.core_type = #tpu.core_type<tc>, window_params = [{transform_indices = @transform_0, window_bounds = array<i64: 1024, 128>}, {pipeline_mode = #tpu.pipeline_mode<synchronous>, transform_indices = @transform_1, window_bounds = array<i64: 128, 64>}, {pipeline_mode = #tpu.pipeline_mode<synchronous>, transform_indices = @transform_2, window_bounds = array<i64: 128, 64>}, {pipeline_mode = #tpu.pipeline_mode<synchronous>, transform_indices = @transform_3, window_bounds = array<i64: 1, 64>}, {transform_indices = @transform_4, window_bounds = array<i64: 1024, 64>}, {transform_indices = @transform_5, window_bounds = array<i64: 1024, 64>}]} {
    %get3A = arith.constant 0 : index
    %get3A_0 = arith.constant 0 : index
    %get3A_1 = vector.load %arg1[%get3A, %get3A_0] : memref<1024x128xf32, #tpu.memory_space<vmem>>, vector<1024x128xf32>
    %get3A_2 = arith.constant 0 : index
    %get3A_3 = arith.constant 0 : index
    %get3A_4 = vector.load %arg2[%get3A_2, %get3A_3] : memref<128x64xf32, #tpu.memory_space<vmem>>, vector<128x64xf32>
    %dot_general3A = arith.constant dense<0.000000e+00> : vector<1024x64xf32>
    %dot_general3A_5 = tpu.matmul %get3A_1, %get3A_4, %dot_general3A {dimension_numbers = #tpu.dot_dimension_numbers<[1], [0], [0], [1], [0, 0, 1, 1], [], []>, transpose_lhs_hint = false} : vector<1024x128xf32>, vector<128x64xf32>, vector<1024x64xf32> -> vector<1024x64xf32>
    %swap3A = arith.constant 0 : index
    %swap3A_6 = arith.constant 0 : index
    %swap3A_7 = vector.load %arg5[%swap3A, %swap3A_6] : memref<1024x64xf32, #tpu.memory_space<vmem>>, vector<1024x64xf32>
    tpu.vector_store %arg5[%swap3A, %swap3A_6], %dot_general3A_5 {strides = array<i32>} : memref<1024x64xf32, #tpu.memory_space<vmem>>, vector<1024x64xf32>,
    %get3A_8 = arith.constant 0 : index
    %get3A_9 = arith.constant 0 : index
    %get3A_10 = vector.load %arg3[%get3A_8, %get3A_9] : memref<128x64xf32, #tpu.memory_space<vmem>>, vector<128x64xf32>
    %dot_general3A_11 = arith.constant dense<0.000000e+00> : vector<1024x64xf32>
    %dot_general3A_12 = tpu.matmul %get3A_1, %get3A_10, %dot_general3A_11 {dimension_numbers = #tpu.dot_dimension_numbers<[1], [0], [0], [1], [0, 0, 1, 1], [], []>, transpose_lhs_hint = false} : vector<1024x128xf32>, vector<128x64xf32>, vector<1024x64xf32> -> vector<1024x64xf32>
    %get3A_13 = arith.constant 0 : index
    %get3A_14 = arith.constant 0 : index
    %get3A_15 = vector.load %arg4[%get3A_13, %get3A_14] : memref<1x64xf32, #tpu.memory_space<vmem>>, vector<1x64xf32>
    %add3A = vector.broadcast %get3A_15 : vector<1x64xf32> to vector<1024x64xf32>
    %add3A_16 = arith.addf %dot_general3A_12, %add3A : vector<1024x64xf32>
    %swap3A_17 = arith.constant 0 : index
    %swap3A_18 = arith.constant 0 : index
    %swap3A_19 = vector.load %arg6[%swap3A_17, %swap3A_18] : memref<1024x64xf32, #tpu.memory_space<vmem>>, vector<1024x64xf32>
    tpu.vector_store %arg6[%swap3A_17, %swap3A_18], %add3A_16 {strides = array<i32>} : memref<1024x64xf32, #tpu.memory_space<vmem>>, vector<1024x64xf32>,
    return
  }
  func.func @transform_0(%arg0: i32) -> (i32, i32) {
    %c0_i32 = arith.constant 0 : i32
    %c0_i32_0 = arith.constant 0 : i32
    return %arg0, %c0_i32 : i32, i32
  }
  func.func @transform_1(%arg0: i32) -> (i32, i32) {
    %c0_i32 = arith.constant 0 : i32
    %c0_i32_0 = arith.constant 0 : i32
    %c0_i32_1 = arith.constant 0 : i32
    return %c0_i32, %c0_i32_0 : i32, i32
  }
  func.func @transform_2(%arg0: i32) -> (i32, i32) {
    %c0_i32 = arith.constant 0 : i32
    %c0_i32_0 = arith.constant 0 : i32
    %c0_i32_1 = arith.constant 0 : i32
    return %c0_i32, %c0_i32_0 : i32, i32
  }
  func.func @transform_3(%arg0: i32) -> (i32, i32) {
    %c0_i32 = arith.constant 0 : i32
    %c0_i32_0 = arith.constant 0 : i32
    %c0_i32_1 = arith.constant 0 : i32
    return %c0_i32, %c0_i32_0 : i32, i32
  }
  func.func @transform_4(%arg0: i32) -> (i32, i32) {
    %c0_i32 = arith.constant 0 : i32
    %c0_i32_0 = arith.constant 0 : i32
    return %arg0, %c0_i32 : i32, i32
  }
  func.func @transform_5(%arg0: i32) -> (i32, i32) {
    %c0_i32 = arith.constant 0 : i32
    %c0_i32_0 = arith.constant 0 : i32
    return %arg0, %c0_i32 : i32, i32
  }
}

module attributes {stable_mosaic.version = 14 : i64} {
  func.func @_mid1_body(%arg0: i32, %arg1: memref<2x1024x64xf32, #tpu.memory_space<vmem>>, %arg2: memref<1024x64xf32, #tpu.memory_space<vmem>>, %arg3: memref<1024x64xf32, #tpu.memory_space<vmem>>) attributes {dimension_semantics = [#tpu.dimension_semantics<arbitrary>], iteration_bounds = array<i64: 10>, scalar_prefetch = 0 : i64, scratch_operands = 0 : i64, tpu.core_type = #tpu.core_type<tc>, window_params = [{transform_indices = @transform_0, window_bounds = array<i64: 2, 1024, 64>}, {transform_indices = @transform_1, window_bounds = array<i64: 1024, 64>}, {transform_indices = @transform_2, window_bounds = array<i64: 1024, 64>}]} {
    %get3A = arith.constant 0 : index
    %get3A_0 = arith.constant 0 : index
    %get3A_1 = arith.constant 0 : index
    %get3A_2 = vector.load %arg1[%get3A, %get3A_0, %get3A_1] : memref<2x1024x64xf32, #tpu.memory_space<vmem>>, vector<1x1024x64xf32>
    %get3A_3 = vector.shape_cast %get3A_2 : vector<1x1024x64xf32> to vector<1024x64xf32>
    %get3A_4 = arith.constant 1 : index
    %get3A_5 = arith.constant 0 : index
    %get3A_6 = arith.constant 0 : index
    %get3A_7 = vector.load %arg1[%get3A_4, %get3A_5, %get3A_6] : memref<2x1024x64xf32, #tpu.memory_space<vmem>>, vector<1x1024x64xf32>
    %get3A_8 = vector.shape_cast %get3A_7 : vector<1x1024x64xf32> to vector<1024x64xf32>
    %add3A = arith.addf %get3A_3, %get3A_8 : vector<1024x64xf32>
    %get3A_9 = arith.constant 0 : index
    %get3A_10 = arith.constant 0 : index
    %get3A_11 = vector.load %arg2[%get3A_9, %get3A_10] : memref<1024x64xf32, #tpu.memory_space<vmem>>, vector<1024x64xf32>
    %add3A_12 = arith.addf %add3A, %get3A_11 : vector<1024x64xf32>
    %gt3A = arith.constant 0.000000e+00 : f32
    %gt3A_13 = vector.broadcast %gt3A : f32 to vector<1024x64xf32>
    %gt3A_14 = arith.cmpf ogt, %add3A_12, %gt3A_13 : vector<1024x64xf32>
    %min3A = arith.constant 0.000000e+00 : f32
    %min3A_15 = vector.broadcast %min3A : f32 to vector<1024x64xf32>
    %min3A_16 = arith.minimumf %add3A_12, %min3A_15 : vector<1024x64xf32>
    %exp3A = math.exp %min3A_16 : vector<1024x64xf32>
    %sub3A = arith.constant 1.000000e+00 : f32
    %sub3A_17 = vector.broadcast %sub3A : f32 to vector<1024x64xf32>
    %sub3A_18 = arith.subf %exp3A, %sub3A_17 : vector<1024x64xf32>
    %select_n3A = arith.select %gt3A_14, %add3A_12, %sub3A_18 : vector<1024x64xi1>, vector<1024x64xf32>
    %swap3A = arith.constant 0 : index
    %swap3A_19 = arith.constant 0 : index
    %swap3A_20 = vector.load %arg3[%swap3A, %swap3A_19] : memref<1024x64xf32, #tpu.memory_space<vmem>>, vector<1024x64xf32>
    tpu.vector_store %arg3[%swap3A, %swap3A_19], %select_n3A {strides = array<i32>} : memref<1024x64xf32, #tpu.memory_space<vmem>>, vector<1024x64xf32>,
    return
  }
  func.func @transform_0(%arg0: i32) -> (i32, i32, i32) {
    %c0_i32 = arith.constant 0 : i32
    %c0_i32_0 = arith.constant 0 : i32
    %c0_i32_1 = arith.constant 0 : i32
    return %c0_i32, %arg0, %c0_i32_0 : i32, i32, i32
  }
  func.func @transform_1(%arg0: i32) -> (i32, i32) {
    %c0_i32 = arith.constant 0 : i32
    %c0_i32_0 = arith.constant 0 : i32
    return %arg0, %c0_i32 : i32, i32
  }
  func.func @transform_2(%arg0: i32) -> (i32, i32) {
    %c0_i32 = arith.constant 0 : i32
    %c0_i32_0 = arith.constant 0 : i32
    return %arg0, %c0_i32 : i32, i32
  }
}

module attributes {stable_mosaic.version = 14 : i64} {
  func.func @_mid2_body(%arg0: i32, %arg1: memref<2x1024x64xf32, #tpu.memory_space<vmem>>, %arg2: memref<1024x64xf32, #tpu.memory_space<vmem>>, %arg3: memref<64x128xf32, #tpu.memory_space<vmem>>, %arg4: memref<64x128xf32, #tpu.memory_space<vmem>>, %arg5: memref<1x128xf32, #tpu.memory_space<vmem>>, %arg6: memref<1024x64xf32, #tpu.memory_space<vmem>>, %arg7: memref<1024x64xf32, #tpu.memory_space<vmem>>) attributes {dimension_semantics = [#tpu.dimension_semantics<arbitrary>], iteration_bounds = array<i64: 10>, scalar_prefetch = 0 : i64, scratch_operands = 0 : i64, tpu.core_type = #tpu.core_type<tc>, window_params = [{transform_indices = @transform_0, window_bounds = array<i64: 2, 1024, 64>}, {transform_indices = @transform_1, window_bounds = array<i64: 1024, 64>}, {pipeline_mode = #tpu.pipeline_mode<synchronous>, transform_indices = @transform_2, window_bounds = array<i64: 64, 128>}, {pipeline_mode = #tpu.pipeline_mode<synchronous>, transform_indices = @transform_3, window_bounds = array<i64: 64, 128>}, {pipeline_mode = #tpu.pipeline_mode<synchronous>, transform_indices = @transform_4, window_bounds = array<i64: 1, 128>}, {transform_indices = @transform_5, window_bounds = array<i64: 1024, 64>}, {transform_indices = @transform_6, window_bounds = array<i64: 1024, 64>}]} {
    %get3A = arith.constant 0 : index
    %get3A_0 = arith.constant 0 : index
    %get3A_1 = arith.constant 0 : index
    %get3A_2 = vector.load %arg1[%get3A, %get3A_0, %get3A_1] : memref<2x1024x64xf32, #tpu.memory_space<vmem>>, vector<1x1024x64xf32>
    %get3A_3 = vector.shape_cast %get3A_2 : vector<1x1024x64xf32> to vector<1024x64xf32>
    %get3A_4 = arith.constant 1 : index
    %get3A_5 = arith.constant 0 : index
    %get3A_6 = arith.constant 0 : index
    %get3A_7 = vector.load %arg1[%get3A_4, %get3A_5, %get3A_6] : memref<2x1024x64xf32, #tpu.memory_space<vmem>>, vector<1x1024x64xf32>
    %get3A_8 = vector.shape_cast %get3A_7 : vector<1x1024x64xf32> to vector<1024x64xf32>
    %add3A = arith.addf %get3A_3, %get3A_8 : vector<1024x64xf32>
    %get3A_9 = arith.constant 0 : index
    %get3A_10 = arith.constant 0 : index
    %get3A_11 = vector.load %arg3[%get3A_9, %get3A_10] : memref<64x128xf32, #tpu.memory_space<vmem>>, vector<64x128xf32>
    %dot_general3A = arith.constant dense<0.000000e+00> : vector<1024x128xf32>
    %dot_general3A_12 = tpu.matmul %add3A, %get3A_11, %dot_general3A {dimension_numbers = #tpu.dot_dimension_numbers<[1], [0], [0], [1], [0, 0, 1, 1], [], []>, transpose_lhs_hint = false} : vector<1024x64xf32>, vector<64x128xf32>, vector<1024x128xf32> -> vector<1024x128xf32>
    %get3A_13 = arith.constant 0 : index
    %get3A_14 = arith.constant 0 : index
    %get3A_15 = vector.load %arg2[%get3A_13, %get3A_14] : memref<1024x64xf32, #tpu.memory_space<vmem>>, vector<1024x64xf32>
    %get3A_16 = arith.constant 0 : index
    %get3A_17 = arith.constant 0 : index
    %get3A_18 = vector.load %arg4[%get3A_16, %get3A_17] : memref<64x128xf32, #tpu.memory_space<vmem>>, vector<64x128xf32>
    %dot_general3A_19 = arith.constant dense<0.000000e+00> : vector<1024x128xf32>
    %dot_general3A_20 = tpu.matmul %get3A_15, %get3A_18, %dot_general3A_19 {dimension_numbers = #tpu.dot_dimension_numbers<[1], [0], [0], [1], [0, 0, 1, 1], [], []>, transpose_lhs_hint = false} : vector<1024x64xf32>, vector<64x128xf32>, vector<1024x128xf32> -> vector<1024x128xf32>
    %add3A_21 = arith.addf %dot_general3A_12, %dot_general3A_20 : vector<1024x128xf32>
    %get3A_22 = arith.constant 0 : index
    %get3A_23 = arith.constant 0 : index
    %get3A_24 = vector.load %arg5[%get3A_22, %get3A_23] : memref<1x128xf32, #tpu.memory_space<vmem>>, vector<1x128xf32>
    %add3A_25 = vector.broadcast %get3A_24 : vector<1x128xf32> to vector<1024x128xf32>
    %add3A_26 = arith.addf %add3A_21, %add3A_25 : vector<1024x128xf32>
    %gt3A = arith.constant 0.000000e+00 : f32
    %gt3A_27 = vector.broadcast %gt3A : f32 to vector<1024x128xf32>
    %gt3A_28 = arith.cmpf ogt, %add3A_26, %gt3A_27 : vector<1024x128xf32>
    %min3A = arith.constant 0.000000e+00 : f32
    %min3A_29 = vector.broadcast %min3A : f32 to vector<1024x128xf32>
    %min3A_30 = arith.minimumf %add3A_26, %min3A_29 : vector<1024x128xf32>
    %exp3A = math.exp %min3A_30 : vector<1024x128xf32>
    %sub3A = arith.constant 1.000000e+00 : f32
    %sub3A_31 = vector.broadcast %sub3A : f32 to vector<1024x128xf32>
    %sub3A_32 = arith.subf %exp3A, %sub3A_31 : vector<1024x128xf32>
    %select_n3A = arith.select %gt3A_28, %add3A_26, %sub3A_32 : vector<1024x128xi1>, vector<1024x128xf32>
    %slice3A = vector.extract_strided_slice %select_n3A {offsets = [0, 0], sizes = [1024, 64], strides = [1, 1]} : vector<1024x128xf32> to vector<1024x64xf32>
    %swap3A = arith.constant 0 : index
    %swap3A_33 = arith.constant 0 : index
    %swap3A_34 = vector.load %arg6[%swap3A, %swap3A_33] : memref<1024x64xf32, #tpu.memory_space<vmem>>, vector<1024x64xf32>
    tpu.vector_store %arg6[%swap3A, %swap3A_33], %slice3A {strides = array<i32>} : memref<1024x64xf32, #tpu.memory_space<vmem>>, vector<1024x64xf32>,
    %slice3A_35 = vector.extract_strided_slice %select_n3A {offsets = [0, 64], sizes = [1024, 64], strides = [1, 1]} : vector<1024x128xf32> to vector<1024x64xf32>
    %swap3A_36 = arith.constant 0 : index
    %swap3A_37 = arith.constant 0 : index
    %swap3A_38 = vector.load %arg7[%swap3A_36, %swap3A_37] : memref<1024x64xf32, #tpu.memory_space<vmem>>, vector<1024x64xf32>
    tpu.vector_store %arg7[%swap3A_36, %swap3A_37], %slice3A_35 {strides = array<i32>} : memref<1024x64xf32, #tpu.memory_space<vmem>>, vector<1024x64xf32>,
    return
  }
  func.func @transform_0(%arg0: i32) -> (i32, i32, i32) {
    %c0_i32 = arith.constant 0 : i32
    %c0_i32_0 = arith.constant 0 : i32
    %c0_i32_1 = arith.constant 0 : i32
    return %c0_i32, %arg0, %c0_i32_0 : i32, i32, i32
  }
  func.func @transform_1(%arg0: i32) -> (i32, i32) {
    %c0_i32 = arith.constant 0 : i32
    %c0_i32_0 = arith.constant 0 : i32
    return %arg0, %c0_i32 : i32, i32
  }
  func.func @transform_2(%arg0: i32) -> (i32, i32) {
    %c0_i32 = arith.constant 0 : i32
    %c0_i32_0 = arith.constant 0 : i32
    %c0_i32_1 = arith.constant 0 : i32
    return %c0_i32, %c0_i32_0 : i32, i32
  }
  func.func @transform_3(%arg0: i32) -> (i32, i32) {
    %c0_i32 = arith.constant 0 : i32
    %c0_i32_0 = arith.constant 0 : i32
    %c0_i32_1 = arith.constant 0 : i32
    return %c0_i32, %c0_i32_0 : i32, i32
  }
  func.func @transform_4(%arg0: i32) -> (i32, i32) {
    %c0_i32 = arith.constant 0 : i32
    %c0_i32_0 = arith.constant 0 : i32
    %c0_i32_1 = arith.constant 0 : i32
    return %c0_i32, %c0_i32_0 : i32, i32
  }
  func.func @transform_5(%arg0: i32) -> (i32, i32) {
    %c0_i32 = arith.constant 0 : i32
    %c0_i32_0 = arith.constant 0 : i32
    return %arg0, %c0_i32 : i32, i32
  }
  func.func @transform_6(%arg0: i32) -> (i32, i32) {
    %c0_i32 = arith.constant 0 : i32
    %c0_i32_0 = arith.constant 0 : i32
    return %arg0, %c0_i32 : i32, i32
  }
}

module attributes {stable_mosaic.version = 14 : i64} {
  func.func @_pool_body(%arg0: i32, %arg1: memref<2x1024x64xf32, #tpu.memory_space<vmem>>, %arg2: memref<2x1024x64xf32, #tpu.memory_space<vmem>>, %arg3: memref<1024x64xf32, #tpu.memory_space<vmem>>, %arg4: memref<1024x64xf32, #tpu.memory_space<vmem>>, %arg5: memref<64x128xf32, #tpu.memory_space<vmem>>, %arg6: memref<64x128xf32, #tpu.memory_space<vmem>>, %arg7: memref<64x128xf32, #tpu.memory_space<vmem>>, %arg8: memref<64x128xf32, #tpu.memory_space<vmem>>, %arg9: memref<1x128xf32, #tpu.memory_space<vmem>>, %arg10: memref<10240xi32, #tpu.memory_space<vmem>>, %arg11: memref<128x128xf32, #tpu.memory_space<vmem>>, %arg12: memref<1x128xf32, #tpu.memory_space<vmem>>, %arg13: memref<128x64xf32, #tpu.memory_space<vmem>>, %arg14: memref<1x64xf32, #tpu.memory_space<vmem>>, %arg15: memref<64x10xf32, #tpu.memory_space<vmem>>, %arg16: memref<1x10xf32, #tpu.memory_space<vmem>>, %arg17: memref<64x10xf32, #tpu.memory_space<vmem>>, %arg18: memref<64x128xf32, #tpu.memory_space<vmem>>, %arg19: memref<64x128xf32, #tpu.memory_space<vmem>>) attributes {dimension_semantics = [#tpu.dimension_semantics<arbitrary>], iteration_bounds = array<i64: 10>, scalar_prefetch = 0 : i64, scratch_operands = 2 : i64, tpu.core_type = #tpu.core_type<tc>, window_params = [{transform_indices = @transform_0, window_bounds = array<i64: 2, 1024, 64>}, {transform_indices = @transform_1, window_bounds = array<i64: 2, 1024, 64>}, {transform_indices = @transform_2, window_bounds = array<i64: 1024, 64>}, {transform_indices = @transform_3, window_bounds = array<i64: 1024, 64>}, {pipeline_mode = #tpu.pipeline_mode<synchronous>, transform_indices = @transform_4, window_bounds = array<i64: 64, 128>}, {pipeline_mode = #tpu.pipeline_mode<synchronous>, transform_indices = @transform_5, window_bounds = array<i64: 64, 128>}, {pipeline_mode = #tpu.pipeline_mode<synchronous>, transform_indices = @transform_6, window_bounds = array<i64: 64, 128>}, {pipeline_mode = #tpu.pipeline_mode<synchronous>, transform_indices = @transform_7, window_bounds = array<i64: 64, 128>}, {pipeline_mode = #tpu.pipeline_mode<synchronous>, transform_indices = @transform_8, window_bounds = array<i64: 1, 128>}, {pipeline_mode = #tpu.pipeline_mode<synchronous>, transform_indices = @transform_9, window_bounds = array<i64: 10240>}, {pipeline_mode = #tpu.pipeline_mode<synchronous>, transform_indices = @transform_10, window_bounds = array<i64: 128, 128>}, {pipeline_mode = #tpu.pipeline_mode<synchronous>, transform_indices = @transform_11, window_bounds = array<i64: 1, 128>}, {pipeline_mode = #tpu.pipeline_mode<synchronous>, transform_indices = @transform_12, window_bounds = array<i64: 128, 64>}, {pipeline_mode = #tpu.pipeline_mode<synchronous>, transform_indices = @transform_13, window_bounds = array<i64: 1, 64>}, {pipeline_mode = #tpu.pipeline_mode<synchronous>, transform_indices = @transform_14, window_bounds = array<i64: 64, 10>}, {pipeline_mode = #tpu.pipeline_mode<synchronous>, transform_indices = @transform_15, window_bounds = array<i64: 1, 10>}, {pipeline_mode = #tpu.pipeline_mode<synchronous>, transform_indices = @transform_16, window_bounds = array<i64: 64, 10>}]} {
    %get3A = arith.constant 0 : index
    %get3A_0 = arith.constant 0 : index
    %get3A_1 = arith.constant 0 : index
    %get3A_2 = vector.load %arg1[%get3A, %get3A_0, %get3A_1] : memref<2x1024x64xf32, #tpu.memory_space<vmem>>, vector<1x1024x64xf32>
    %get3A_3 = vector.shape_cast %get3A_2 : vector<1x1024x64xf32> to vector<1024x64xf32>
    %get3A_4 = arith.constant 1 : index
    %get3A_5 = arith.constant 0 : index
    %get3A_6 = arith.constant 0 : index
    %get3A_7 = vector.load %arg1[%get3A_4, %get3A_5, %get3A_6] : memref<2x1024x64xf32, #tpu.memory_space<vmem>>, vector<1x1024x64xf32>
    %get3A_8 = vector.shape_cast %get3A_7 : vector<1x1024x64xf32> to vector<1024x64xf32>
    %add3A = arith.addf %get3A_3, %get3A_8 : vector<1024x64xf32>
    %get3A_9 = arith.constant 0 : index
    %get3A_10 = arith.constant 0 : index
    %get3A_11 = vector.load %arg5[%get3A_9, %get3A_10] : memref<64x128xf32, #tpu.memory_space<vmem>>, vector<64x128xf32>
    %dot_general3A = arith.constant dense<0.000000e+00> : vector<1024x128xf32>
    %dot_general3A_12 = tpu.matmul %add3A, %get3A_11, %dot_general3A {dimension_numbers = #tpu.dot_dimension_numbers<[1], [0], [0], [1], [0, 0, 1, 1], [], []>, transpose_lhs_hint = false} : vector<1024x64xf32>, vector<64x128xf32>, vector<1024x128xf32> -> vector<1024x128xf32>
    %get3A_13 = arith.constant 0 : index
    %get3A_14 = arith.constant 0 : index
    %get3A_15 = arith.constant 0 : index
    %get3A_16 = vector.load %arg2[%get3A_13, %get3A_14, %get3A_15] : memref<2x1024x64xf32, #tpu.memory_space<vmem>>, vector<1x1024x64xf32>
    %get3A_17 = vector.shape_cast %get3A_16 : vector<1x1024x64xf32> to vector<1024x64xf32>
    %get3A_18 = arith.constant 1 : index
    %get3A_19 = arith.constant 0 : index
    %get3A_20 = arith.constant 0 : index
    %get3A_21 = vector.load %arg2[%get3A_18, %get3A_19, %get3A_20] : memref<2x1024x64xf32, #tpu.memory_space<vmem>>, vector<1x1024x64xf32>
    %get3A_22 = vector.shape_cast %get3A_21 : vector<1x1024x64xf32> to vector<1024x64xf32>
    %add3A_23 = arith.addf %get3A_17, %get3A_22 : vector<1024x64xf32>
    %get3A_24 = arith.constant 0 : index
    %get3A_25 = arith.constant 0 : index
    %get3A_26 = vector.load %arg6[%get3A_24, %get3A_25] : memref<64x128xf32, #tpu.memory_space<vmem>>, vector<64x128xf32>
    %dot_general3A_27 = arith.constant dense<0.000000e+00> : vector<1024x128xf32>
    %dot_general3A_28 = tpu.matmul %add3A_23, %get3A_26, %dot_general3A_27 {dimension_numbers = #tpu.dot_dimension_numbers<[1], [0], [0], [1], [0, 0, 1, 1], [], []>, transpose_lhs_hint = false} : vector<1024x64xf32>, vector<64x128xf32>, vector<1024x128xf32> -> vector<1024x128xf32>
    %add3A_29 = arith.addf %dot_general3A_12, %dot_general3A_28 : vector<1024x128xf32>
    %get3A_30 = arith.constant 0 : index
    %get3A_31 = arith.constant 0 : index
    %get3A_32 = vector.load %arg3[%get3A_30, %get3A_31] : memref<1024x64xf32, #tpu.memory_space<vmem>>, vector<1024x64xf32>
    %get3A_33 = arith.constant 0 : index
    %get3A_34 = arith.constant 0 : index
    %get3A_35 = vector.load %arg7[%get3A_33, %get3A_34] : memref<64x128xf32, #tpu.memory_space<vmem>>, vector<64x128xf32>
    %dot_general3A_36 = arith.constant dense<0.000000e+00> : vector<1024x128xf32>
    %dot_general3A_37 = tpu.matmul %get3A_32, %get3A_35, %dot_general3A_36 {dimension_numbers = #tpu.dot_dimension_numbers<[1], [0], [0], [1], [0, 0, 1, 1], [], []>, transpose_lhs_hint = false} : vector<1024x64xf32>, vector<64x128xf32>, vector<1024x128xf32> -> vector<1024x128xf32>
    %add3A_38 = arith.addf %add3A_29, %dot_general3A_37 : vector<1024x128xf32>
    %get3A_39 = arith.constant 0 : index
    %get3A_40 = arith.constant 0 : index
    %get3A_41 = vector.load %arg4[%get3A_39, %get3A_40] : memref<1024x64xf32, #tpu.memory_space<vmem>>, vector<1024x64xf32>
    %get3A_42 = arith.constant 0 : index
    %get3A_43 = arith.constant 0 : index
    %get3A_44 = vector.load %arg8[%get3A_42, %get3A_43] : memref<64x128xf32, #tpu.memory_space<vmem>>, vector<64x128xf32>
    %dot_general3A_45 = arith.constant dense<0.000000e+00> : vector<1024x128xf32>
    %dot_general3A_46 = tpu.matmul %get3A_41, %get3A_44, %dot_general3A_45 {dimension_numbers = #tpu.dot_dimension_numbers<[1], [0], [0], [1], [0, 0, 1, 1], [], []>, transpose_lhs_hint = false} : vector<1024x64xf32>, vector<64x128xf32>, vector<1024x128xf32> -> vector<1024x128xf32>
    %add3A_47 = arith.addf %add3A_38, %dot_general3A_46 : vector<1024x128xf32>
    %get3A_48 = arith.constant 0 : index
    %get3A_49 = arith.constant 0 : index
    %get3A_50 = vector.load %arg9[%get3A_48, %get3A_49] : memref<1x128xf32, #tpu.memory_space<vmem>>, vector<1x128xf32>
    %add3A_51 = vector.broadcast %get3A_50 : vector<1x128xf32> to vector<1024x128xf32>
    %add3A_52 = arith.addf %add3A_47, %add3A_51 : vector<1024x128xf32>
    %gt3A = arith.constant 0.000000e+00 : f32
    %gt3A_53 = vector.broadcast %gt3A : f32 to vector<1024x128xf32>
    %gt3A_54 = arith.cmpf ogt, %add3A_52, %gt3A_53 : vector<1024x128xf32>
    %min3A = arith.constant 0.000000e+00 : f32
    %min3A_55 = vector.broadcast %min3A : f32 to vector<1024x128xf32>
    %min3A_56 = arith.minimumf %add3A_52, %min3A_55 : vector<1024x128xf32>
    %exp3A = math.exp %min3A_56 : vector<1024x128xf32>
    %sub3A = arith.constant 1.000000e+00 : f32
    %sub3A_57 = vector.broadcast %sub3A : f32 to vector<1024x128xf32>
    %sub3A_58 = arith.subf %exp3A, %sub3A_57 : vector<1024x128xf32>
    %select_n3A = arith.select %gt3A_54, %add3A_52, %sub3A_58 : vector<1024x128xi1>, vector<1024x128xf32>
    %mul3A = arith.constant 1024 : i32
    %mul3A_59 = arith.muli %arg0, %mul3A : i32
    %get3A_60 = arith.index_cast %mul3A_59 : i32 to index
    %get3A_61 = vector.load %arg10[%get3A_60] : memref<10240xi32, #tpu.memory_space<vmem>>, vector<1024xi32>
    %reshape3A = vector.shape_cast %get3A_61 : vector<1024xi32> to vector<1024x1xi32>
    %iota3A = tpu.iota {dimensions = array<i32: 1>} : vector<1x64xi32>
    %eq3A = vector.broadcast %reshape3A : vector<1024x1xi32> to vector<1024x64xi32>
    %eq3A_62 = vector.broadcast %iota3A : vector<1x64xi32> to vector<1024x64xi32>
    %eq3A_63 = arith.cmpi eq, %eq3A, %eq3A_62 : vector<1024x64xi32>
    %convert_element_type3A = arith.extui %eq3A_63 : vector<1024x64xi1> to vector<1024x64xi32>
    %convert_element_type3A_64 = arith.sitofp %convert_element_type3A : vector<1024x64xi32> to vector<1024x64xf32>
    %eq3A_65 = arith.constant 0 : i32
    %eq3A_66 = arith.cmpi eq, %arg0, %eq3A_65 : i32
    %convert_element_type3A_67 = arith.extui %eq3A_66 : i1 to i32
    %cond3A = arith.constant 0 : i32
    %cond3A_68 = arith.cmpi ne, %convert_element_type3A_67, %cond3A : i32
    scf.if %cond3A_68 {
      %broadcast_in_dim3A_94 = arith.constant 0.000000e+00 : f32
      %broadcast_in_dim3A_95 = vector.broadcast %broadcast_in_dim3A_94 : f32 to vector<64x128xf32>
      %swap3A_96 = arith.constant 0 : index
      %swap3A_97 = arith.constant 0 : index
      %swap3A_98 = vector.load %arg18[%swap3A_96, %swap3A_97] : memref<64x128xf32, #tpu.memory_space<vmem>>, vector<64x128xf32>
      tpu.vector_store %arg18[%swap3A_96, %swap3A_97], %broadcast_in_dim3A_95 {strides = array<i32>} : memref<64x128xf32, #tpu.memory_space<vmem>>, vector<64x128xf32>,
      %broadcast_in_dim3A_99 = arith.constant 0.000000e+00 : f32
      %broadcast_in_dim3A_100 = vector.broadcast %broadcast_in_dim3A_99 : f32 to vector<64x128xf32>
      %swap3A_101 = arith.constant 0 : index
      %swap3A_102 = arith.constant 0 : index
      %swap3A_103 = vector.load %arg19[%swap3A_101, %swap3A_102] : memref<64x128xf32, #tpu.memory_space<vmem>>, vector<64x128xf32>
      tpu.vector_store %arg19[%swap3A_101, %swap3A_102], %broadcast_in_dim3A_100 {strides = array<i32>} : memref<64x128xf32, #tpu.memory_space<vmem>>, vector<64x128xf32>,
    } else {
    }
    %get3A_69 = arith.constant 0 : index
    %get3A_70 = arith.constant 0 : index
    %get3A_71 = vector.load %arg18[%get3A_69, %get3A_70] : memref<64x128xf32, #tpu.memory_space<vmem>>, vector<64x128xf32>
    %transpose3A = tpu.transpose %convert_element_type3A_64, [1, 0] : vector<1024x64xf32> -> vector<64x1024xf32>
    %dot_general3A_72 = arith.constant dense<0.000000e+00> : vector<64x128xf32>
    %dot_general3A_73 = tpu.matmul %transpose3A, %select_n3A, %dot_general3A_72 {dimension_numbers = #tpu.dot_dimension_numbers<[1], [0], [0], [1], [0, 0, 1, 1], [], []>, transpose_lhs_hint = false} : vector<64x1024xf32>, vector<1024x128xf32>, vector<64x128xf32> -> vector<64x128xf32>
    %add3A_74 = arith.addf %get3A_71, %dot_general3A_73 : vector<64x128xf32>
    %swap3A = arith.constant 0 : index
    %swap3A_75 = arith.constant 0 : index
    %swap3A_76 = vector.load %arg18[%swap3A, %swap3A_75] : memref<64x128xf32, #tpu.memory_space<vmem>>, vector<64x128xf32>
    tpu.vector_store %arg18[%swap3A, %swap3A_75], %add3A_74 {strides = array<i32>} : memref<64x128xf32, #tpu.memory_space<vmem>>, vector<64x128xf32>,
    %get3A_77 = arith.constant 0 : index
    %get3A_78 = arith.constant 0 : index
    %get3A_79 = vector.load %arg19[%get3A_77, %get3A_78] : memref<64x128xf32, #tpu.memory_space<vmem>>, vector<64x128xf32>
    %reduce_sum3A = arith.constant dense<0.000000e+00> : vector<64xf32>
    %reduce_sum3A_80 = vector.multi_reduction <add>, %convert_element_type3A_64, %reduce_sum3A [0] : vector<1024x64xf32> to vector<64xf32>
    %reshape3A_81 = vector.shape_cast %reduce_sum3A_80 : vector<64xf32> to vector<64x1xf32>
    %broadcast_in_dim3A = arith.constant 0.000000e+00 : f32
    %broadcast_in_dim3A_82 = vector.broadcast %broadcast_in_dim3A : f32 to vector<64x128xf32>
    %add3A_83 = vector.broadcast %reshape3A_81 : vector<64x1xf32> to vector<64x128xf32>
    %add3A_84 = arith.addf %add3A_83, %broadcast_in_dim3A_82 : vector<64x128xf32>
    %add3A_85 = arith.addf %get3A_79, %add3A_84 : vector<64x128xf32>
    %swap3A_86 = arith.constant 0 : index
    %swap3A_87 = arith.constant 0 : index
    %swap3A_88 = vector.load %arg19[%swap3A_86, %swap3A_87] : memref<64x128xf32, #tpu.memory_space<vmem>>, vector<64x128xf32>
    tpu.vector_store %arg19[%swap3A_86, %swap3A_87], %add3A_85 {strides = array<i32>} : memref<64x128xf32, #tpu.memory_space<vmem>>, vector<64x128xf32>,
    %eq3A_89 = arith.constant 9 : i32
    %eq3A_90 = arith.cmpi eq, %arg0, %eq3A_89 : i32
    %convert_element_type3A_91 = arith.extui %eq3A_90 : i1 to i32
    %cond3A_92 = arith.constant 0 : i32
    %cond3A_93 = arith.cmpi ne, %convert_element_type3A_91, %cond3A_92 : i32
    scf.if %cond3A_93 {
      %get3A_94 = arith.constant 0 : index
      %get3A_95 = arith.constant 0 : index
      %get3A_96 = vector.load %arg19[%get3A_94, %get3A_95] : memref<64x128xf32, #tpu.memory_space<vmem>>, vector<64x1xf32>
      %max3A = arith.constant 1.000000e+00 : f32
      %max3A_97 = vector.broadcast %max3A : f32 to vector<64x1xf32>
      %max3A_98 = arith.maximumf %get3A_96, %max3A_97 : vector<64x1xf32>
      %get3A_99 = arith.constant 0 : index
      %get3A_100 = arith.constant 0 : index
      %get3A_101 = vector.load %arg18[%get3A_99, %get3A_100] : memref<64x128xf32, #tpu.memory_space<vmem>>, vector<64x128xf32>
      %div3A = vector.broadcast %max3A_98 : vector<64x1xf32> to vector<64x128xf32>
      %div3A_102 = arith.divf %get3A_101, %div3A : vector<64x128xf32>
      %get3A_103 = arith.constant 0 : index
      %get3A_104 = arith.constant 0 : index
      %get3A_105 = vector.load %arg11[%get3A_103, %get3A_104] : memref<128x128xf32, #tpu.memory_space<vmem>>, vector<128x128xf32>
      %dot_general3A_106 = arith.constant dense<0.000000e+00> : vector<64x128xf32>
      %dot_general3A_107 = tpu.matmul %div3A_102, %get3A_105, %dot_general3A_106 {dimension_numbers = #tpu.dot_dimension_numbers<[1], [0], [0], [1], [0, 0, 1, 1], [], []>, transpose_lhs_hint = false} : vector<64x128xf32>, vector<128x128xf32>, vector<64x128xf32> -> vector<64x128xf32>
      %get3A_108 = arith.constant 0 : index
      %get3A_109 = arith.constant 0 : index
      %get3A_110 = vector.load %arg12[%get3A_108, %get3A_109] : memref<1x128xf32, #tpu.memory_space<vmem>>, vector<1x128xf32>
      %add3A_111 = vector.broadcast %get3A_110 : vector<1x128xf32> to vector<64x128xf32>
      %add3A_112 = arith.addf %dot_general3A_107, %add3A_111 : vector<64x128xf32>
      %gt3A_113 = arith.constant 0.000000e+00 : f32
      %gt3A_114 = vector.broadcast %gt3A_113 : f32 to vector<64x128xf32>
      %gt3A_115 = arith.cmpf ogt, %add3A_112, %gt3A_114 : vector<64x128xf32>
      %min3A_116 = arith.constant 0.000000e+00 : f32
      %min3A_117 = vector.broadcast %min3A_116 : f32 to vector<64x128xf32>
      %min3A_118 = arith.minimumf %add3A_112, %min3A_117 : vector<64x128xf32>
      %exp3A_119 = math.exp %min3A_118 : vector<64x128xf32>
      %sub3A_120 = arith.constant 1.000000e+00 : f32
      %sub3A_121 = vector.broadcast %sub3A_120 : f32 to vector<64x128xf32>
      %sub3A_122 = arith.subf %exp3A_119, %sub3A_121 : vector<64x128xf32>
      %select_n3A_123 = arith.select %gt3A_115, %add3A_112, %sub3A_122 : vector<64x128xi1>, vector<64x128xf32>
      %get3A_124 = arith.constant 0 : index
      %get3A_125 = arith.constant 0 : index
      %get3A_126 = vector.load %arg13[%get3A_124, %get3A_125] : memref<128x64xf32, #tpu.memory_space<vmem>>, vector<128x64xf32>
      %dot_general3A_127 = arith.constant dense<0.000000e+00> : vector<64x64xf32>
      %dot_general3A_128 = tpu.matmul %select_n3A_123, %get3A_126, %dot_general3A_127 {dimension_numbers = #tpu.dot_dimension_numbers<[1], [0], [0], [1], [0, 0, 1, 1], [], []>, transpose_lhs_hint = false} : vector<64x128xf32>, vector<128x64xf32>, vector<64x64xf32> -> vector<64x64xf32>
      %get3A_129 = arith.constant 0 : index
      %get3A_130 = arith.constant 0 : index
      %get3A_131 = vector.load %arg14[%get3A_129, %get3A_130] : memref<1x64xf32, #tpu.memory_space<vmem>>, vector<1x64xf32>
      %add3A_132 = vector.broadcast %get3A_131 : vector<1x64xf32> to vector<64x64xf32>
      %add3A_133 = arith.addf %dot_general3A_128, %add3A_132 : vector<64x64xf32>
      %gt3A_134 = arith.constant 0.000000e+00 : f32
      %gt3A_135 = vector.broadcast %gt3A_134 : f32 to vector<64x64xf32>
      %gt3A_136 = arith.cmpf ogt, %add3A_133, %gt3A_135 : vector<64x64xf32>
      %min3A_137 = arith.constant 0.000000e+00 : f32
      %min3A_138 = vector.broadcast %min3A_137 : f32 to vector<64x64xf32>
      %min3A_139 = arith.minimumf %add3A_133, %min3A_138 : vector<64x64xf32>
      %exp3A_140 = math.exp %min3A_139 : vector<64x64xf32>
      %sub3A_141 = arith.constant 1.000000e+00 : f32
      %sub3A_142 = vector.broadcast %sub3A_141 : f32 to vector<64x64xf32>
      %sub3A_143 = arith.subf %exp3A_140, %sub3A_142 : vector<64x64xf32>
      %select_n3A_144 = arith.select %gt3A_136, %add3A_133, %sub3A_143 : vector<64x64xi1>, vector<64x64xf32>
      %get3A_145 = arith.constant 0 : index
      %get3A_146 = arith.constant 0 : index
      %get3A_147 = vector.load %arg15[%get3A_145, %get3A_146] : memref<64x10xf32, #tpu.memory_space<vmem>>, vector<64x10xf32>
      %dot_general3A_148 = arith.constant dense<0.000000e+00> : vector<64x10xf32>
      %dot_general3A_149 = tpu.matmul %select_n3A_144, %get3A_147, %dot_general3A_148 {dimension_numbers = #tpu.dot_dimension_numbers<[1], [0], [0], [1], [0, 0, 1, 1], [], []>, transpose_lhs_hint = false} : vector<64x64xf32>, vector<64x10xf32>, vector<64x10xf32> -> vector<64x10xf32>
      %get3A_150 = arith.constant 0 : index
      %get3A_151 = arith.constant 0 : index
      %get3A_152 = vector.load %arg16[%get3A_150, %get3A_151] : memref<1x10xf32, #tpu.memory_space<vmem>>, vector<1x10xf32>
      %add3A_153 = vector.broadcast %get3A_152 : vector<1x10xf32> to vector<64x10xf32>
      %add3A_154 = arith.addf %dot_general3A_149, %add3A_153 : vector<64x10xf32>
      %reduce_max3A = arith.constant dense<0xFF800000> : vector<64xf32>
      %reduce_max3A_155 = vector.multi_reduction <maximumf>, %add3A_154, %reduce_max3A [1] : vector<64x10xf32> to vector<64xf32>
      %broadcast_in_dim3A_156 = vector.shape_cast %reduce_max3A_155 : vector<64xf32> to vector<64x1xf32>
      %sub3A_157 = vector.broadcast %broadcast_in_dim3A_156 : vector<64x1xf32> to vector<64x10xf32>
      %sub3A_158 = arith.subf %add3A_154, %sub3A_157 : vector<64x10xf32>
      %exp3A_159 = math.exp %sub3A_158 : vector<64x10xf32>
      %reduce_sum3A_160 = arith.constant dense<0.000000e+00> : vector<64xf32>
      %reduce_sum3A_161 = vector.multi_reduction <add>, %exp3A_159, %reduce_sum3A_160 [1] : vector<64x10xf32> to vector<64xf32>
      %broadcast_in_dim3A_162 = vector.shape_cast %reduce_sum3A_161 : vector<64xf32> to vector<64x1xf32>
      %log3A = math.log %broadcast_in_dim3A_162 : vector<64x1xf32>
      %add3A_163 = arith.addf %broadcast_in_dim3A_156, %log3A : vector<64x1xf32>
      %sub3A_164 = vector.broadcast %add3A_163 : vector<64x1xf32> to vector<64x10xf32>
      %sub3A_165 = arith.subf %add3A_154, %sub3A_164 : vector<64x10xf32>
      %swap3A_166 = arith.constant 0 : index
      %swap3A_167 = arith.constant 0 : index
      %swap3A_168 = vector.load %arg17[%swap3A_166, %swap3A_167] : memref<64x10xf32, #tpu.memory_space<vmem>>, vector<64x10xf32>
      tpu.vector_store %arg17[%swap3A_166, %swap3A_167], %sub3A_165 {strides = array<i32>} : memref<64x10xf32, #tpu.memory_space<vmem>>, vector<64x10xf32>,
    } else {
    }
    return
  }
  func.func @transform_0(%arg0: i32) -> (i32, i32, i32) {
    %c0_i32 = arith.constant 0 : i32
    %c0_i32_0 = arith.constant 0 : i32
    %c0_i32_1 = arith.constant 0 : i32
    return %c0_i32, %arg0, %c0_i32_0 : i32, i32, i32
  }
  func.func @transform_1(%arg0: i32) -> (i32, i32, i32) {
    %c0_i32 = arith.constant 0 : i32
    %c0_i32_0 = arith.constant 0 : i32
    %c0_i32_1 = arith.constant 0 : i32
    return %c0_i32, %arg0, %c0_i32_0 : i32, i32, i32
  }
  func.func @transform_2(%arg0: i32) -> (i32, i32) {
    %c0_i32 = arith.constant 0 : i32
    %c0_i32_0 = arith.constant 0 : i32
    return %arg0, %c0_i32 : i32, i32
  }
  func.func @transform_3(%arg0: i32) -> (i32, i32) {
    %c0_i32 = arith.constant 0 : i32
    %c0_i32_0 = arith.constant 0 : i32
    return %arg0, %c0_i32 : i32, i32
  }
  func.func @transform_4(%arg0: i32) -> (i32, i32) {
    %c0_i32 = arith.constant 0 : i32
    %c0_i32_0 = arith.constant 0 : i32
    %c0_i32_1 = arith.constant 0 : i32
    return %c0_i32, %c0_i32_0 : i32, i32
  }
  func.func @transform_5(%arg0: i32) -> (i32, i32) {
    %c0_i32 = arith.constant 0 : i32
    %c0_i32_0 = arith.constant 0 : i32
    %c0_i32_1 = arith.constant 0 : i32
    return %c0_i32, %c0_i32_0 : i32, i32
  }
  func.func @transform_6(%arg0: i32) -> (i32, i32) {
    %c0_i32 = arith.constant 0 : i32
    %c0_i32_0 = arith.constant 0 : i32
    %c0_i32_1 = arith.constant 0 : i32
    return %c0_i32, %c0_i32_0 : i32, i32
  }
  func.func @transform_7(%arg0: i32) -> (i32, i32) {
    %c0_i32 = arith.constant 0 : i32
    %c0_i32_0 = arith.constant 0 : i32
    %c0_i32_1 = arith.constant 0 : i32
    return %c0_i32, %c0_i32_0 : i32, i32
  }
  func.func @transform_8(%arg0: i32) -> (i32, i32) {
    %c0_i32 = arith.constant 0 : i32
    %c0_i32_0 = arith.constant 0 : i32
    %c0_i32_1 = arith.constant 0 : i32
    return %c0_i32, %c0_i32_0 : i32, i32
  }
  func.func @transform_9(%arg0: i32) -> i32 {
    %c0_i32 = arith.constant 0 : i32
    %c0_i32_0 = arith.constant 0 : i32
    return %c0_i32 : i32
  }
  func.func @transform_10(%arg0: i32) -> (i32, i32) {
    %c0_i32 = arith.constant 0 : i32
    %c0_i32_0 = arith.constant 0 : i32
    %c0_i32_1 = arith.constant 0 : i32
    return %c0_i32, %c0_i32_0 : i32, i32
  }
  func.func @transform_11(%arg0: i32) -> (i32, i32) {
    %c0_i32 = arith.constant 0 : i32
    %c0_i32_0 = arith.constant 0 : i32
    %c0_i32_1 = arith.constant 0 : i32
    return %c0_i32, %c0_i32_0 : i32, i32
  }
  func.func @transform_12(%arg0: i32) -> (i32, i32) {
    %c0_i32 = arith.constant 0 : i32
    %c0_i32_0 = arith.constant 0 : i32
    %c0_i32_1 = arith.constant 0 : i32
    return %c0_i32, %c0_i32_0 : i32, i32
  }
  func.func @transform_13(%arg0: i32) -> (i32, i32) {
    %c0_i32 = arith.constant 0 : i32
    %c0_i32_0 = arith.constant 0 : i32
    %c0_i32_1 = arith.constant 0 : i32
    return %c0_i32, %c0_i32_0 : i32, i32
  }
  func.func @transform_14(%arg0: i32) -> (i32, i32) {
    %c0_i32 = arith.constant 0 : i32
    %c0_i32_0 = arith.constant 0 : i32
    %c0_i32_1 = arith.constant 0 : i32
    return %c0_i32, %c0_i32_0 : i32, i32
  }
  func.func @transform_15(%arg0: i32) -> (i32, i32) {
    %c0_i32 = arith.constant 0 : i32
    %c0_i32_0 = arith.constant 0 : i32
    %c0_i32_1 = arith.constant 0 : i32
    return %c0_i32, %c0_i32_0 : i32, i32
  }
  func.func @transform_16(%arg0: i32) -> (i32, i32) {
    %c0_i32 = arith.constant 0 : i32
    %c0_i32_0 = arith.constant 0 : i32
    %c0_i32_1 = arith.constant 0 : i32
    return %c0_i32, %c0_i32_0 : i32, i32
  }
}

</mosaic_0001>

<sc_bundles>
// kernel: kernel.12.cloned.1.call-start
scs
__scs_entry_jumppad:
0x0: {  	(pc) =	sbr.rel $0x88, $3  }
0x1: {  	(tag) =	ssettag $0x0;
	lr =	simm.s32 $0x1  }
0x2: {  	[smem:$0x3F8F] =	sst lr;
	_ =	strace $0xD0000000  }
0x3: {  	_ = 	snop  }
0x4: {  	_ = 	snop  }
0x5: {  	_ = 	snop  }
0x6: {  	_ = 	snop  }
0x7: {  	_ = 	snop  }
__scs_overlays_trampoline_lowered:
0x8: {  	[smem:$0x3F9E] =	sst s0  }
0x9: {  	[smem:$0x3F9F] =	sst s1  }
0xa: {  	[smem:$0x3FA0] =	sst s2  }
0xb: {  	[smem:$0x3FA1] =	sst s3  }
0xc: {  	[smem:$0x3FA2] =	sst s4  }
0xd: {  	[smem:$0x3FA3] =	sst s5  }
0xe: {  	[smem:$0x3FA4] =	sst s6  }
0xf: {  	[smem:$0x3FA5] =	sst s7  }
0x10: {  	[smem:$0x3FA6] =	sst s8  }
0x11: {  	[smem:$0x3FA7] =	sst s9;
	s0 =	simm.s32 @!p0 $0x0  }
0x12: {  	s1 =	sld [smem:$0x3F8D];
	s0 =	simm.s32 @p0 $0x1  }
0x13: {  	[smem:$0x3FA8] =	sst s0;
	s0 =	simm.s32 @!p1 $0x0  }
0x14: {  	s2 =	sld [smem:$0x3F8C];
	s0 =	simm.s32 @p1 $0x1  }
0x15: {  	[smem:$0x3FA9] =	sst s0;
	s0 =	simm.s32 @!p2 $0x0  }
0x16: {  	s3 =	sld [smem:$0x3FDB];
	s0 =	simm.s32 @p2 $0x1  }
0x17: {  	s4 =	simm.s32 $0x1BF5;
	[smem:$0x3FAB] =	sst s0  }
0x18: {  	s0 =	sld [smem:$0x3F8E];
	_ =	swait.ge [sflag:s4], $0x0  }
0x19: {  	s7 =	sld [smem:$0x3F8F]  }
0x1a: {  	s8 =	sadd.s32 $0xFFFFE003, lr  }
0x1b: {  	s9 =	sadd.s32 $0xFFFFFEF7, lr;
	s5 =	simm.s32 $0xFFFFFFFF;
	p2 =	slt.u32 s8, $0xFFFFF086  }
0x1c: {  	p1 =	slt.u32 s9, $0xF7A;
	s5 =	simm.s32 @!p2 $0x0  }
0x1d: {  	s5 =	simm.s32 @p1 $0x1;
	p0 =	seq.s32 s7, s2  }
0x1e: {  	s7 =	smul.u32 @!p0 $0xF7A, s2;
	p2 =	seq.s32 @!p0 s5, $0x0  }
0x1f: {  	s9 =	smul.u32 $0xF7A, s1;
	s8 =	simm.s32 @!p0 $0x1BF5;
	p2 =	por !p2, p0  }
0x20: {  	[sflag:s8] =	ssyncset.s32 @!p0 $0xFFFFF086;
	s6 =	sadd.s32 @!p0 s3, s7;
	s7 =	simm.s32 @!p0 $0x108  }
0x21: {  	s3 =	sadd.s32 s3, s9;
	s6 =	sadd.s32 @!p0 $0x88, s6;
	s7 =	simm.s32 @p2 $0x1082  }
0x22: {  	[simem:s7], [sflag:s8] =	dma.local @!p0 [hbm:s6], $0xF7A  }
0x23: {  	s9 =	sor.u32 $0xD0000000, s2;
	s6 =	simm.s32 $0x108;
	_ =	swait.ge @!p0 [sflag:s8], $0x0  }
0x24: {  	s3 =	sadd.s32 $0x88, s3;
	s6 =	simm.s32 @!p1 $0x1082;
	[sflag:s4] =	ssyncset.s32 $0xFFFFF086  }
0x25: {  	[simem:s6], [sflag:s4] =	dma.local [hbm:s3], $0xF7A  }
0x26: {  	[smem:$0x3F8F] =	sst s1;
	(tag) =	ssettag s2;
	_ =	strace s9  }
0x27: {  	s1 =	sld [smem:$0x3F9F]  }
0x28: {  	s2 =	sld [smem:$0x3FA0]  }
0x29: {  	s4 =	sld [smem:$0x3FA2]  }
0x2a: {  	p0 =	seq.s32 s5, $0x0;
	s5 =	sld [smem:$0x3FA3]  }
0x2b: {  	s6 =	sld [smem:$0x3FA4]  }
0x2c: {  	s7 =	sld [smem:$0x3FA5]  }
0x2d: {  	s3 =	simm.s32 $0x108;
	s8 =	sld [smem:$0x3FA6]  }
0x2e: {  	s3 =	simm.s32 @!p0 $0x1082;
	s9 =	sld [smem:$0x3FA7]  }
0x2f: {  	lr =	sadd.s32 s0, s3;
	s0 =	sld [smem:$0x3F9E]  }
0x30: {  	s3 =	sld [smem:$0x3FA1]  }
0x31: {  	[smem:$0x3FAA] =	sst s10  }
0x32: {  	s10 =	sld [smem:$0x3FA8];
	_ =	sdelay $0x3  }
0x33: {  	p0 =	seq.s32 s10, $0x1;
	s10 =	sld [smem:$0x3FAA];
	_ =	sdelay $0x3  }
0x34: {  	[smem:$0x3FAA] =	sst s10  }
0x35: {  	s10 =	sld [smem:$0x3FA9];
	_ =	sdelay $0x3  }
0x36: {  	p1 =	seq.s32 s10, $0x1;
	s10 =	sld [smem:$0x3FAA];
	_ =	sdelay $0x3  }
0x37: {  	[smem:$0x3FAA] =	sst s10  }
0x38: {  	s10 =	sld [smem:$0x3FAB]  }
0x39: {  	_ = 	snop;
	(pc) =	sbr.ind lr, $3  }
0x3a: {  	_ = 	snop  }
0x3b: {  	_ = 	snop  }
0x3c: {  	p2 =	seq.s32 s10, $0x1;
	s10 =	sld [smem:$0x3FAA]  }
0x3d: {  	_ =	shalt  }
0x3e: {  	_ =	shalt  }
0x3f: {  	_ =	shalt  }
0x40: {  	_ =	shalt  }
0x41: {  	_ =	shalt  }
0x42: {  	_ =	shalt  }
0x43: {  	_ =	shalt  }
0x44: {  	_ =	shalt  }
0x45: {  	_ =	shalt  }
0x46: {  	_ =	shalt  }
0x47: {  	_ =	shalt  }
0x48: {  	_ =	shalt  }
0x49: {  	_ =	shalt  }
0x4a: {  	_ =	shalt  }
0x4b: {  	_ =	shalt  }
0x4c: {  	_ =	shalt  }
0x4d: {  	_ =	shalt  }
0x4e: {  	_ =	shalt  }
0x4f: {  	_ =	shalt  }
0x50: {  	_ =	shalt  }
0x51: {  	_ =	shalt  }
0x52: {  	_ =	shalt  }
0x53: {  	_ =	shalt  }
0x54: {  	_ =	shalt  }
0x55: {  	_ =	shalt  }
0x56: {  	_ =	shalt  }
0x57: {  	_ =	shalt  }
0x58: {  	_ =	shalt  }
0x59: {  	_ =	shalt  }
0x5a: {  	_ =	shalt  }
0x5b: {  	_ =	shalt  }
0x5c: {  	_ =	shalt  }
0x5d: {  	_ =	shalt  }
0x5e: {  	_ =	shalt  }
0x5f: {  	_ =	shalt  }
0x60: {  	_ =	shalt  }
0x61: {  	_ =	shalt  }
0x62: {  	_ =	shalt  }
0x63: {  	_ =	shalt  }
0x64: {  	_ =	shalt  }
0x65: {  	_ =	shalt  }
0x66: {  	_ =	shalt  }
0x67: {  	_ =	shalt  }
0x68: {  	_ =	shalt  }
0x69: {  	_ =	shalt  }
0x6a: {  	_ =	shalt  }
0x6b: {  	_ =	shalt  }
0x6c: {  	_ =	shalt  }
0x6d: {  	_ =	shalt  }
0x6e: {  	_ =	shalt  }
0x6f: {  	_ =	shalt  }
0x70: {  	_ =	shalt  }
0x71: {  	_ =	shalt  }
0x72: {  	_ =	shalt  }
0x73: {  	_ =	shalt  }
0x74: {  	_ =	shalt  }
0x75: {  	_ =	shalt  }
0x76: {  	_ =	shalt  }
0x77: {  	_ =	shalt  }
0x78: {  	_ =	shalt  }
0x79: {  	_ =	shalt  }
0x7a: {  	_ =	shalt  }
0x7b: {  	_ =	shalt  }
0x7c: {  	_ =	shalt  }
0x7d: {  	_ =	shalt  }
0x7e: {  	_ =	shalt  }
0x7f: {  	_ =	shalt  }
0x80: {  	_ =	shalt  }
0x81: {  	_ =	shalt  }
0x82: {  	_ =	shalt  }
0x83: {  	_ =	shalt  }
0x84: {  	_ =	shalt  }
0x85: {  	_ =	shalt  }
0x86: {  	_ =	shalt  }
0x87: {  	_ =	shalt  }
.Lfunc_end0:
.L_simem_size_0:
called_computation.1_lowered:
.L_overlay_start_0:
0x88: {  	s2 =	sld [smem:$0x3FD9]  }
0x89: {  	s3 =	sld [smem:$0x3FFE];
	_ =	sdelay $0x1  }
0x8a: {  	s1 =	srdreg.scid  }
0x8b: {  	s0 =	sand.u32 $0x1, s1  }
0x8c: {  	s16 =	sshll.u32 s0, $0xA;
	s2 =	sadd.s32 s3, s2  }
0x8d: {  	s2 =	sadd.s32 s2, s16  }
0x8e: {  	[smem:$0x3FB6] =	sst s2  }
0x8f: {  	_ = 	snop  }
0x90: {  	(tm) =	ssettm $0x1  }
0x91: {  	s17 =	sld [smem:$0x3FFB];
	_ =	sdelay $0x3  }
0x92: {  	_ =	strace s17  }
0x93: {  	s2 =	sld [smem:$0x3FFC];
	_ =	sdelay $0x3  }
0x94: {  	_ =	strace s2  }
0x95: {  	s2 =	sld [smem:$0x3FFD];
	_ =	sdelay $0x3  }
0x96: {  	_ =	strace s2  }
0x97: {  	_ =	strace $0x8FFFFFFF  }
0x98: {  	s18 =	sld [smem:$0x3FDB];
	_ =	sdelay $0x1  }
0x99: {  	s19 =	simm.s32 $_scs_section_size  }
0x9a: {  	s4 =	simm.s32 $_size__tile_overlayer_lowered;
	s5 =	simm.s32 $_tile_overlayer_lowered  }
0x9b: {  	s22 =	simm.s32 $0x1BFF;
	s21 =	sshll.u32 s5, $0x1;
	s2 =	sadd.s32 s19, s18  }
0x9c: {  	s6 =	simm.s32 $0x0;
	s20 =	sshll.u32 s4, $0x1;
	s4 =	sadd.s32 s21, s2  }
0x9d: {  	[timem:s6], [sflag:s22] =	dma.local [hbm:s4], s20  }
0x9e: {  	_ =	swait.ge [sflag:s22], s20  }
0x9f: {  	s3 =	ssub.s32 $0x0, s20;
	[sflag:s22] =	ssyncset.done $0x0  }
0xa0: {  	[sflag:s22] =	ssyncadd.s32 s3;
	_ =	sdelay $0x1  }
0xa1: {  	s23 =	simm.s32 $0x1B8B  }
0xa2: {  	_ =	swait.ge [sflag:s23], $0x1  }
0xa3: {  	[sflag:s23] =	ssyncset.done $0x0  }
0xa4: {  	s25 =	simm.s32 $0x1B8E;
	s24 =	sld [smem:$0x3FFE];
	[sflag:s23] =	ssyncadd.s32 $0xFFFFFFFF  }
0xa5: {  	s26 =	simm.s32 $execute0_lowered;
	[smem:$0x3FD2] =	sst s25  }
0xa6: {  	s4 =	sshll.u32 s26, $0x1;
	_ =	strace $0x80000049;
	[dreg:$0x1] =	wrdreg $0xFFFFFFFF  }
0xa7: {  	s28 =	simm.s32 $_size_execute0_lowered;
	s2 =	sadd.s32 s2, s4;
	[dreg:$0x0] =	wrdreg $0x0  }
0xa8: {  	s4 =	sshll.u32 s28, $0x1;
	[dreg:$0x2] =	wrdreg s2  }
0xa9: {  	[dreg:$0x3] =	wrdreg s4  }
0xaa: {  	[dreg:$0x4] =	wrdreg $0xC0  }
0xab: {  	_ =	task [dreg:s6], $0x5FFFF  }
0xac: {  	[dreg:$0x1] =	wrdreg $0xFFFFFFFF  }
0xad: {  	[dreg:$0x0] =	wrdreg $0x60  }
0xae: {  	[dreg:$0x2] =	wrdreg s24  }
0xaf: {  	[dreg:$0x3] =	wrdreg $0x68000  }
0xb0: {  	[dreg:$0x4] =	wrdreg $0x108000  }
0xb1: {  	[dreg:$0x5] =	wrdreg $0x9  }
0xb2: {  	_ =	task.clear_ibuf [dreg:s6], $0x6FFFF;
	_ =	strace $0x90000049  }
0xb3: {  	s29 =	simm.s32 $0x9;
	_ =	strace $0x8000004B  }
0xb4: {  	_ =	swait.ge [sflag:s29], $0x1  }
0xb5: {  	[sflag:s29] =	ssyncadd.s32 $0xFFFFFFFF  }
0xb6: {  	_ =	strace $0x9000004B  }
0xb7: {  	_ =	sfence  }
0xb8: {  	s30 =	sld [smem:$0x0];
	_ =	sdelay $0x2  }
0xb9: {  	s31 =	sshll.u32 s1, $0xD;
	s1 =	sshrl.u32 s1, $0x2  }
0xba: {  	s3 =	sand.u32 $0x4000, s31;
	s1 =	sadd.s32 s1, s30  }
0xbb: {  	s0 =	sor.u32 s3, s0;
	s1 =	sshll.u32 s1, $0x11  }
0xbc: {  	s0 =	sor.u32 s1, s0  }
0xbd: {  	s0 =	sadd.s32 $0x8F2B, s0  }
0xbe: {  	[sflag:s0] =	ssyncadd.remote.s32 $0x1  }
0xbf: {  	_ =	sfence.sel $0xFFFF  }
0xc0: {  	[dreg:$0x0] =	wrdreg $0xFFFFFFFF;
	(pc) =	sbr.abs _section_cstart, $3  }
0xc1: {  	[dreg:$0x1] =	wrdreg $0xFFFFFFFF  }
0xc2: {  	_ =	task.clear_ibuf [dreg:s6], $0x2FFFF;
	_ =	strace $0x9FFFFFFF  }
0xc3: {  	(tm) =	ssettm $0x7FFFFFFF  }
tec
execute0_lowered:
.L_overlay_start_1:
0x0: {  	(tag) =	ssettag $0x1  }
0x1: {  	s6 =	rddreg [dreg:$0x0]  }
0x2: {  	s2 =	rddreg [dreg:$0x1]  }
0x3: {  	s3 =	rddreg [dreg:$0x2]  }
0x4: {  	s0 =	rddreg [dreg:$0x3];
	s1 =	stileid.u32  }
0x5: {  	s4 =	simm.s32 $0x0;
	s5 =	srdreg.scid;
	s18 =	simm.s32 $0x1  }
0x6: {  	s19 =	simm.s32 $0x80;
	s20 =	simm.s32 $0x2;
	s21 =	simm.s32 $0x0  }
0x7: {  	s8 =	smul.u32 $0xA000, s1;
	[smem:$0x7FF] =	sst s4;
	s7 =	sand.u32 $0x1, s5  }
0x8: {  	s12 =	sadd.s32 $0x21200, s6;
	s13 =	sadd.s32 $0x17200, s6;
	s5 =	sadd.s32 $0x2B200, s6  }
0x9: {  	s31 =	sshll.u32 s1, $0x6;
	_ =	strace $0x8000004A;
	s9 =	smul.u32 $0xA0000, s7  }
0xa: {  	s11 =	ssub.s32 $0x2, s7;
	s7 =	sshll.u32 s7, $0x4;
	s28 =	sshrl.u32 s8, $0x3  }
0xb: {  	s14 =	sshrl.u32 s11, $0x1;
	s29 =	sor.u32 s1, s7;
	s30 =	sadd.s32 s8, s2  }
0xc: {  	s7 =	sor.u32 $0x1C03, s31;
	s16 =	sadd.s32 s8, s3;
	s10 =	sadd.s32 s28, s6  }
0xd: {  	s9 =	sadd.s32 s8, s9;
	s11 =	ssub.s32 s11, s14;
	s15 =	smul.u32 $0x500, s29  }
.Ltmp0:
0xe: {  	s14 =	sshrl.u32 s30, $0x3;
	s9 =	sshrl.u32 s9, $0x3;
	(pc) =	sbr.rel .LBB2_1-.Ltmp0, $4  }
0xf: {  	s16 =	sshrl.u32 s16, $0x3;
	s9 =	sadd.s32 s9, s6;
	s6 =	sadd.s32 $0x3200, s10  }
0x10: {  	s17 =	sadd.s32 $0x280, s15;
	s10 =	sadd.s32 s12, s15;
	s8 =	sadd.s32 $0x2C600, s9  }
0x11: {  	s9 =	smax.u32 s11, $0x1;
	s11 =	sadd.s32 s13, s15;
	s12 =	sadd.s32 s12, s17  }
0x12: {  	s13 =	sadd.s32 s13, s17;
	s15 =	simm.s32 $0x3;
	s17 =	simm.s32 $0x2800  }
.LBB2_11:
0x13: {  	_ =	swait.ge [sflag:s20], $0x2000  }
0x14: {  	[sflag:s20] =	ssyncset.done $0x0  }
0x15: {  	[sflag:s20] =	ssyncadd.s32 $0xFFFFE000  }
0x16: {  	_ =	swait.ge [sflag:s20], $0x2000  }
0x17: {  	s21 =	sadd.s32 $0x1, s21;
	[sflag:s20] =	ssyncset.done $0x0  }
0x18: {  	p0 =	sne.s32 s21, s9;
	[sflag:s20] =	ssyncadd.s32 $0xFFFFE000  }
.Ltmp1:
0x19: {  	[bflag:$0x0] =	sbarrier.arrive $0xFFFF;
	(pc) =	sbr.rel @!p0 .LBB2_12-.Ltmp1, $4  }
0x1a: {  	[hbm:s8], [sflag:s7] =	dma.local [spmem:s16], $0x1400  }
0x1b: {  	_ =	swait.ge [sflag:s15], $0x1400  }
0x1c: {  	[sflag:s15] =	ssyncset.done $0x0  }
0x1d: {  	[sflag:s15] =	ssyncadd.s32 $0xFFFFEC00  }
.LBB2_1:
0x1e: {  	[spmem:s14], [sflag:s7] =	dma.local [hbm:s6], $0x1400  }
0x1f: {  	_ =	swait.ge [sflag:s15], $0x1400  }
0x20: {  	[sflag:s15] =	ssyncset.done $0x0  }
0x21: {  	[sflag:s15] =	ssyncadd.s32 $0xFFFFEC00  }
0x22: {  	[spmem:s16], [sflag:s7] =	dma.local [hbm:s5], $0x1400  }
0x23: {  	_ =	swait.ge [sflag:s15], $0x1400  }
0x24: {  	[sflag:s15] =	ssyncset.done $0x0  }
0x25: {  	[sflag:s15] =	ssyncadd.s32 $0xFFFFEC00  }
0x26: {  	[bflag:$0x0] =	sbarrier.arrive $0xFFFF  }
0x27: {  	[tilespmem:s4], [sflag:$0x3] =	stream.linear.gather [hbm4b:s10+s4], $0x1400, $0x38;
	[tilespmem:$0x1A800] =	vst v63  }
0x28: {  	_ =	swait.ge [sflag:s15], $0x1400  }
0x29: {  	[sflag:s15] =	ssyncset.done $0x0  }
0x2a: {  	s22 =	simm.s32 $0x1400;
	[sflag:s15] =	ssyncadd.s32 $0xFFFFEC00  }
0x2b: {  	[tilespmem:s22], [sflag:$0x3] =	stream.linear.gather [hbm4b:s11+s4], $0x1400, $0x38;
	[tilespmem:$0x1A800] =	vst v63  }
.Ltmp2:
0x2c: {  	_ = 	snop;
	(pc) =	sbr.rel .LBB2_2-.Ltmp2, $4  }
0x2d: {  	_ =	swait.ge [sflag:s15], $0x1400  }
0x2e: {  	s23 =	simm.s32 $0x80;
	[sflag:s15] =	ssyncset.done $0x0  }
0x2f: {  	s24 =	simm.s32 $0x0;
	s25 =	simm.s32 $0x0;
	[sflag:s15] =	ssyncadd.s32 $0xFFFFEC00  }
0x30: {  	[tilespmem:s17], [sflag:$0x1] =	stream.indirect.gather [spmem:s2], $0x40, s4, s19, $0xb8;
	[tilespmem:$0x1A800] =	vst v63  }
.LBB2_5:
0x31: {  	s25 =	sadd.s32 $0x1, s25  }
0x32: {  	p0 =	sne.s32 s25, $0x28  }
.Ltmp3:
0x33: {  	s24 =	sadd.s32 $0x2000, s24;
	(pc) =	sbr.rel @!p0 .LBB2_6-.Ltmp3, $4  }
0x34: {  	s26 =	sand.u32 $0x2000, s24  }
0x35: {  	s26 =	sadd.s32 $0x2800, s26  }
0x36: {  	[tilespmem:s26], [sflag:$0x1] =	stream.indirect.gather [spmem:s2], $0x40, s23, s19, $0xb8;
	[tilespmem:$0x1A800] =	vst v63  }
0x37: {  	s22 =	sadd.s32 $0x80, s22;
	s23 =	sadd.s32 $0x80, s23  }
.LBB2_2:
0x38: {  	p0 =	seq.s32 s25, $0x0  }
.Ltmp4:
0x39: {  	_ = 	snop;
	(pc) =	sbr.rel @p0 .LBB2_5-.Ltmp4, $4  }
0x3a: {  	_ =	swait.ge [sflag:s18], $0x2000  }
0x3b: {  	s26 =	sand.u32 $0x2000, s24;
	[sflag:s18] =	ssyncset.done $0x0  }
0x3c: {  	s26 =	sadd.s32 $0x2800, s26;
	[sflag:s18] =	ssyncadd.s32 $0xFFFFE000  }
0x3d: {  	[spmem:s3] =	stream.indirect.scatter.add.f32 [tilespmem:s26], [sflag:$0x2], $0x40, s22, s19, $0xb8;
	[tilespmem:$0x1A800] =	vst v63  }
0x3e: {  	p0 =	seq.s32 s25, $0x27  }
.Ltmp5:
0x3f: {  	_ = 	snop;
	(pc) =	sbr.rel @p0 .LBB2_6-.Ltmp5, $1  }
0x40: {  	_ =	sdelay $0x3  }
.Ltmp6:
0x41: {  	(pc) =	sbr.rel .LBB2_5-.Ltmp6, $4  }
0x42: {  	_ = 	snop  }
0x43: {  	_ =	swait.ge [sflag:s20], $0x2000  }
0x44: {  	[sflag:s20] =	ssyncset.done $0x0  }
0x45: {  	[sflag:s20] =	ssyncadd.s32 $0xFFFFE000  }
.LBB2_6:
0x46: {  	_ =	swait.ge [sflag:s20], $0x2000  }
0x47: {  	[sflag:s20] =	ssyncset.done $0x0  }
0x48: {  	[sflag:s20] =	ssyncadd.s32 $0xFFFFE000  }
0x49: {  	_ =	swait.ge [sflag:s20], $0x2000  }
0x4a: {  	[sflag:s20] =	ssyncset.done $0x0  }
0x4b: {  	s22 =	simm.s32 $0x0;
	[sflag:s20] =	ssyncadd.s32 $0xFFFFE000  }
0x4c: {  	[tilespmem:s22], [sflag:$0x3] =	stream.linear.gather [hbm4b:s12+s22], $0x1400, $0x38;
	[tilespmem:$0x1A800] =	vst v63  }
0x4d: {  	_ =	swait.ge [sflag:s15], $0x1400  }
0x4e: {  	[sflag:s15] =	ssyncset.done $0x0  }
0x4f: {  	s23 =	simm.s32 $0x1400;
	[sflag:s15] =	ssyncadd.s32 $0xFFFFEC00  }
0x50: {  	[tilespmem:s23], [sflag:$0x3] =	stream.linear.gather [hbm4b:s13+s22], $0x1400, $0x38;
	[tilespmem:$0x1A800] =	vst v63  }
.Ltmp7:
0x51: {  	_ = 	snop;
	(pc) =	sbr.rel .LBB2_7-.Ltmp7, $4  }
0x52: {  	_ =	swait.ge [sflag:s15], $0x1400  }
0x53: {  	[sflag:s15] =	ssyncset.done $0x0  }
0x54: {  	s24 =	simm.s32 $0x80;
	s25 =	simm.s32 $0x2000;
	[sflag:s15] =	ssyncadd.s32 $0xFFFFEC00  }
0x55: {  	[tilespmem:s17], [sflag:$0x1] =	stream.indirect.gather [spmem:s2], $0x40, s22, s24, $0xb8;
	[tilespmem:$0x1A800] =	vst v63  }
.LBB2_10:
0x56: {  	s22 =	sadd.s32 $0x1, s22  }
0x57: {  	p0 =	sne.s32 s22, $0x28  }
.Ltmp8:
0x58: {  	_ = 	snop;
	(pc) =	sbr.rel @!p0 .LBB2_11-.Ltmp8, $4  }
0x59: {  	s26 =	sand.u32 $0x2000, s25  }
0x5a: {  	s26 =	sadd.s32 $0x2800, s26  }
0x5b: {  	[tilespmem:s26], [sflag:$0x1] =	stream.indirect.gather [spmem:s2], $0x40, s24, s19, $0xb8;
	[tilespmem:$0x1A800] =	vst v63  }
0x5c: {  	s25 =	sadd.s32 $0x2000, s25;
	s23 =	sadd.s32 $0x80, s23;
	s24 =	sadd.s32 $0x80, s24  }
.LBB2_7:
0x5d: {  	p0 =	seq.s32 s22, $0x0  }
.Ltmp9:
0x5e: {  	_ = 	snop;
	(pc) =	sbr.rel @p0 .LBB2_10-.Ltmp9, $4  }
0x5f: {  	s26 =	sadd.s32 $0xFFFFE000, s25;
	_ =	swait.ge [sflag:s18], $0x2000  }
0x60: {  	s26 =	sand.u32 $0x2000, s26;
	[sflag:s18] =	ssyncset.done $0x0  }
0x61: {  	s26 =	sadd.s32 $0x2800, s26;
	[sflag:s18] =	ssyncadd.s32 $0xFFFFE000  }
0x62: {  	[spmem:s3] =	stream.indirect.scatter.add.f32 [tilespmem:s26], [sflag:$0x2], $0x40, s23, s19, $0xb8;
	[tilespmem:$0x1A800] =	vst v63  }
0x63: {  	p0 =	seq.s32 s22, $0x27  }
.Ltmp10:
0x64: {  	_ = 	snop;
	(pc) =	sbr.rel @p0 .LBB2_11-.Ltmp10, $1  }
0x65: {  	_ =	sdelay $0x3  }
.Ltmp11:
0x66: {  	(pc) =	sbr.rel .LBB2_10-.Ltmp11, $4  }
0x67: {  	_ = 	snop  }
0x68: {  	_ =	swait.ge [sflag:s20], $0x2000  }
0x69: {  	[sflag:s20] =	ssyncset.done $0x0  }
0x6a: {  	[sflag:s20] =	ssyncadd.s32 $0xFFFFE000  }
.LBB2_12:
0x6b: {  	_ =	sfence.sel $0x180000  }
0x6c: {  	[bflag:$0x0] =	sbarrier.arrive $0xFFFF  }
0x6d: {  	p0 =	sne.s32 s1, $0x0;
	_ =	strace $0x9000004A  }
0x6e: {  	s0 =	sadd.s32 @!p0 $0x100000, s0;
	[bflag:$0x2] =	sbarrier.arrive $0xFFFF  }
0x6f: {  	[sflag:s0] =	ssyncadd.tile.s32 @!p0 $0x1;
	_ =	shalt  }
.Lfunc_end2:
_tile_overlayer_lowered:
.L_overlay_start_2:
0x70: {  	(tag) =	ssettag $0x2  }
0x71: {  	s0 =	rddreg [dreg:$0x0];
	s2 =	stileid.u32  }
0x72: {  	s1 =	rddreg [dreg:$0x1];
	p0 =	sne.s32 s2, $0x0  }
0x73: {  	s3 =	rddreg [dreg:$0x2];
	[bflag:$0x3] =	sbarrier.arrive $0xFFFF;
	s2 =	simm.s32 @!p0 $0x1C03  }
0x74: {  	[timem:s3], [sflag:s2] =	dma.local @!p0 [hbm:s0], s1  }
0x75: {  	s0 =	simm.s32 @!p0 $0x3  }
0x76: {  	_ =	swait.ge @!p0 [sflag:s0], s1  }
0x77: {  	s1 =	ssub.s32 @!p0 $0x0, s1;
	[sflag:s0] =	ssyncset.done @!p0 $0x0  }
0x78: {  	[sflag:s0] =	ssyncadd.s32 @!p0 s1  }
0x79: {  	[bflag:$0x3] =	sbarrier.arrive $0xFFFF  }
0x7a: {  	_ =	shalt  }

// kernel: kernel.15.cloned.1.call-start
scs
__scs_entry_jumppad:
0x0: {  	(pc) =	sbr.rel $0x88, $3  }
0x1: {  	(tag) =	ssettag $0x0;
	lr =	simm.s32 $0x1  }
0x2: {  	[smem:$0x3F8F] =	sst lr;
	_ =	strace $0xD0000000  }
0x3: {  	_ = 	snop  }
0x4: {  	_ = 	snop  }
0x5: {  	_ = 	snop  }
0x6: {  	_ = 	snop  }
0x7: {  	_ = 	snop  }
__scs_overlays_trampoline_lowered:
0x8: {  	[smem:$0x3F9E] =	sst s0  }
0x9: {  	[smem:$0x3F9F] =	sst s1  }
0xa: {  	[smem:$0x3FA0] =	sst s2  }
0xb: {  	[smem:$0x3FA1] =	sst s3  }
0xc: {  	[smem:$0x3FA2] =	sst s4  }
0xd: {  	[smem:$0x3FA3] =	sst s5  }
0xe: {  	[smem:$0x3FA4] =	sst s6  }
0xf: {  	[smem:$0x3FA5] =	sst s7  }
0x10: {  	[smem:$0x3FA6] =	sst s8  }
0x11: {  	[smem:$0x3FA7] =	sst s9;
	s0 =	simm.s32 @!p0 $0x0  }
0x12: {  	s1 =	sld [smem:$0x3F8D];
	s0 =	simm.s32 @p0 $0x1  }
0x13: {  	[smem:$0x3FA8] =	sst s0;
	s0 =	simm.s32 @!p1 $0x0  }
0x14: {  	s2 =	sld [smem:$0x3F8C];
	s0 =	simm.s32 @p1 $0x1  }
0x15: {  	[smem:$0x3FA9] =	sst s0;
	s0 =	simm.s32 @!p2 $0x0  }
0x16: {  	s3 =	sld [smem:$0x3FDB];
	s0 =	simm.s32 @p2 $0x1  }
0x17: {  	s4 =	simm.s32 $0x1BF5;
	[smem:$0x3FAB] =	sst s0  }
0x18: {  	s0 =	sld [smem:$0x3F8E];
	_ =	swait.ge [sflag:s4], $0x0  }
0x19: {  	s7 =	sld [smem:$0x3F8F]  }
0x1a: {  	s8 =	sadd.s32 $0xFFFFE003, lr  }
0x1b: {  	s9 =	sadd.s32 $0xFFFFFEF7, lr;
	s5 =	simm.s32 $0xFFFFFFFF;
	p2 =	slt.u32 s8, $0xFFFFF086  }
0x1c: {  	p1 =	slt.u32 s9, $0xF7A;
	s5 =	simm.s32 @!p2 $0x0  }
0x1d: {  	s5 =	simm.s32 @p1 $0x1;
	p0 =	seq.s32 s7, s2  }
0x1e: {  	s7 =	smul.u32 @!p0 $0xF7A, s2;
	p2 =	seq.s32 @!p0 s5, $0x0  }
0x1f: {  	s9 =	smul.u32 $0xF7A, s1;
	s8 =	simm.s32 @!p0 $0x1BF5;
	p2 =	por !p2, p0  }
0x20: {  	[sflag:s8] =	ssyncset.s32 @!p0 $0xFFFFF086;
	s6 =	sadd.s32 @!p0 s3, s7;
	s7 =	simm.s32 @!p0 $0x108  }
0x21: {  	s3 =	sadd.s32 s3, s9;
	s6 =	sadd.s32 @!p0 $0x88, s6;
	s7 =	simm.s32 @p2 $0x1082  }
0x22: {  	[simem:s7], [sflag:s8] =	dma.local @!p0 [hbm:s6], $0xF7A  }
0x23: {  	s9 =	sor.u32 $0xD0000000, s2;
	s6 =	simm.s32 $0x108;
	_ =	swait.ge @!p0 [sflag:s8], $0x0  }
0x24: {  	s3 =	sadd.s32 $0x88, s3;
	s6 =	simm.s32 @!p1 $0x1082;
	[sflag:s4] =	ssyncset.s32 $0xFFFFF086  }
0x25: {  	[simem:s6], [sflag:s4] =	dma.local [hbm:s3], $0xF7A  }
0x26: {  	[smem:$0x3F8F] =	sst s1;
	(tag) =	ssettag s2;
	_ =	strace s9  }
0x27: {  	s1 =	sld [smem:$0x3F9F]  }
0x28: {  	s2 =	sld [smem:$0x3FA0]  }
0x29: {  	s4 =	sld [smem:$0x3FA2]  }
0x2a: {  	p0 =	seq.s32 s5, $0x0;
	s5 =	sld [smem:$0x3FA3]  }
0x2b: {  	s6 =	sld [smem:$0x3FA4]  }
0x2c: {  	s7 =	sld [smem:$0x3FA5]  }
0x2d: {  	s3 =	simm.s32 $0x108;
	s8 =	sld [smem:$0x3FA6]  }
0x2e: {  	s3 =	simm.s32 @!p0 $0x1082;
	s9 =	sld [smem:$0x3FA7]  }
0x2f: {  	lr =	sadd.s32 s0, s3;
	s0 =	sld [smem:$0x3F9E]  }
0x30: {  	s3 =	sld [smem:$0x3FA1]  }
0x31: {  	[smem:$0x3FAA] =	sst s10  }
0x32: {  	s10 =	sld [smem:$0x3FA8];
	_ =	sdelay $0x3  }
0x33: {  	p0 =	seq.s32 s10, $0x1;
	s10 =	sld [smem:$0x3FAA];
	_ =	sdelay $0x3  }
0x34: {  	[smem:$0x3FAA] =	sst s10  }
0x35: {  	s10 =	sld [smem:$0x3FA9];
	_ =	sdelay $0x3  }
0x36: {  	p1 =	seq.s32 s10, $0x1;
	s10 =	sld [smem:$0x3FAA];
	_ =	sdelay $0x3  }
0x37: {  	[smem:$0x3FAA] =	sst s10  }
0x38: {  	s10 =	sld [smem:$0x3FAB]  }
0x39: {  	_ = 	snop;
	(pc) =	sbr.ind lr, $3  }
0x3a: {  	_ = 	snop  }
0x3b: {  	_ = 	snop  }
0x3c: {  	p2 =	seq.s32 s10, $0x1;
	s10 =	sld [smem:$0x3FAA]  }
0x3d: {  	_ =	shalt  }
0x3e: {  	_ =	shalt  }
0x3f: {  	_ =	shalt  }
0x40: {  	_ =	shalt  }
0x41: {  	_ =	shalt  }
0x42: {  	_ =	shalt  }
0x43: {  	_ =	shalt  }
0x44: {  	_ =	shalt  }
0x45: {  	_ =	shalt  }
0x46: {  	_ =	shalt  }
0x47: {  	_ =	shalt  }
0x48: {  	_ =	shalt  }
0x49: {  	_ =	shalt  }
0x4a: {  	_ =	shalt  }
0x4b: {  	_ =	shalt  }
0x4c: {  	_ =	shalt  }
0x4d: {  	_ =	shalt  }
0x4e: {  	_ =	shalt  }
0x4f: {  	_ =	shalt  }
0x50: {  	_ =	shalt  }
0x51: {  	_ =	shalt  }
0x52: {  	_ =	shalt  }
0x53: {  	_ =	shalt  }
0x54: {  	_ =	shalt  }
0x55: {  	_ =	shalt  }
0x56: {  	_ =	shalt  }
0x57: {  	_ =	shalt  }
0x58: {  	_ =	shalt  }
0x59: {  	_ =	shalt  }
0x5a: {  	_ =	shalt  }
0x5b: {  	_ =	shalt  }
0x5c: {  	_ =	shalt  }
0x5d: {  	_ =	shalt  }
0x5e: {  	_ =	shalt  }
0x5f: {  	_ =	shalt  }
0x60: {  	_ =	shalt  }
0x61: {  	_ =	shalt  }
0x62: {  	_ =	shalt  }
0x63: {  	_ =	shalt  }
0x64: {  	_ =	shalt  }
0x65: {  	_ =	shalt  }
0x66: {  	_ =	shalt  }
0x67: {  	_ =	shalt  }
0x68: {  	_ =	shalt  }
0x69: {  	_ =	shalt  }
0x6a: {  	_ =	shalt  }
0x6b: {  	_ =	shalt  }
0x6c: {  	_ =	shalt  }
0x6d: {  	_ =	shalt  }
0x6e: {  	_ =	shalt  }
0x6f: {  	_ =	shalt  }
0x70: {  	_ =	shalt  }
0x71: {  	_ =	shalt  }
0x72: {  	_ =	shalt  }
0x73: {  	_ =	shalt  }
0x74: {  	_ =	shalt  }
0x75: {  	_ =	shalt  }
0x76: {  	_ =	shalt  }
0x77: {  	_ =	shalt  }
0x78: {  	_ =	shalt  }
0x79: {  	_ =	shalt  }
0x7a: {  	_ =	shalt  }
0x7b: {  	_ =	shalt  }
0x7c: {  	_ =	shalt  }
0x7d: {  	_ =	shalt  }
0x7e: {  	_ =	shalt  }
0x7f: {  	_ =	shalt  }
0x80: {  	_ =	shalt  }
0x81: {  	_ =	shalt  }
0x82: {  	_ =	shalt  }
0x83: {  	_ =	shalt  }
0x84: {  	_ =	shalt  }
0x85: {  	_ =	shalt  }
0x86: {  	_ =	shalt  }
0x87: {  	_ =	shalt  }
.Lfunc_end0:
.L_simem_size_0:
called_computation.2_lowered:
.L_overlay_start_0:
0x88: {  	s2 =	sld [smem:$0x3FD9]  }
0x89: {  	s3 =	sld [smem:$0x3FFE];
	_ =	sdelay $0x1  }
0x8a: {  	s1 =	srdreg.scid  }
0x8b: {  	s0 =	sand.u32 $0x1, s1  }
0x8c: {  	s16 =	sshll.u32 s0, $0xA;
	s2 =	sadd.s32 s3, s2  }
0x8d: {  	s2 =	sadd.s32 s2, s16  }
0x8e: {  	[smem:$0x3FB6] =	sst s2  }
0x8f: {  	_ = 	snop  }
0x90: {  	(tm) =	ssettm $0x1  }
0x91: {  	s17 =	sld [smem:$0x3FFB];
	_ =	sdelay $0x3  }
0x92: {  	_ =	strace s17  }
0x93: {  	s2 =	sld [smem:$0x3FFC];
	_ =	sdelay $0x3  }
0x94: {  	_ =	strace s2  }
0x95: {  	s2 =	sld [smem:$0x3FFD];
	_ =	sdelay $0x3  }
0x96: {  	_ =	strace s2  }
0x97: {  	_ =	strace $0x8FFFFFFF  }
0x98: {  	s18 =	sld [smem:$0x3FDB];
	_ =	sdelay $0x1  }
0x99: {  	s19 =	simm.s32 $_scs_section_size  }
0x9a: {  	s4 =	simm.s32 $_size__tile_overlayer_lowered;
	s5 =	simm.s32 $_tile_overlayer_lowered  }
0x9b: {  	s22 =	simm.s32 $0x1BFF;
	s21 =	sshll.u32 s5, $0x1;
	s2 =	sadd.s32 s19, s18  }
0x9c: {  	s6 =	simm.s32 $0x0;
	s20 =	sshll.u32 s4, $0x1;
	s4 =	sadd.s32 s21, s2  }
0x9d: {  	[timem:s6], [sflag:s22] =	dma.local [hbm:s4], s20  }
0x9e: {  	_ =	swait.ge [sflag:s22], s20  }
0x9f: {  	s3 =	ssub.s32 $0x0, s20;
	[sflag:s22] =	ssyncset.done $0x0  }
0xa0: {  	[sflag:s22] =	ssyncadd.s32 s3;
	_ =	sdelay $0x1  }
0xa1: {  	s23 =	simm.s32 $0x1B8B  }
0xa2: {  	_ =	swait.ge [sflag:s23], $0x1  }
0xa3: {  	[sflag:s23] =	ssyncset.done $0x0  }
0xa4: {  	s25 =	simm.s32 $0x1B8E;
	s24 =	sld [smem:$0x3FFE];
	[sflag:s23] =	ssyncadd.s32 $0xFFFFFFFF  }
0xa5: {  	s26 =	simm.s32 $execute0_lowered;
	[smem:$0x3FD2] =	sst s25  }
0xa6: {  	s4 =	sshll.u32 s26, $0x1;
	_ =	strace $0x8000004C;
	[dreg:$0x1] =	wrdreg $0xFFFFFFFF  }
0xa7: {  	s28 =	simm.s32 $_size_execute0_lowered;
	s2 =	sadd.s32 s2, s4;
	[dreg:$0x0] =	wrdreg $0x0  }
0xa8: {  	s4 =	sshll.u32 s28, $0x1;
	[dreg:$0x2] =	wrdreg s2  }
0xa9: {  	[dreg:$0x3] =	wrdreg s4  }
0xaa: {  	[dreg:$0x4] =	wrdreg $0xC0  }
0xab: {  	_ =	task [dreg:s6], $0x5FFFF  }
0xac: {  	[dreg:$0x1] =	wrdreg $0xFFFFFFFF  }
0xad: {  	[dreg:$0x0] =	wrdreg $0x60  }
0xae: {  	[dreg:$0x2] =	wrdreg s24  }
0xaf: {  	[dreg:$0x3] =	wrdreg $0x68000  }
0xb0: {  	[dreg:$0x4] =	wrdreg $0x108000  }
0xb1: {  	[dreg:$0x5] =	wrdreg $0x9  }
0xb2: {  	_ =	task.clear_ibuf [dreg:s6], $0x6FFFF;
	_ =	strace $0x9000004C  }
0xb3: {  	s29 =	simm.s32 $0x9;
	_ =	strace $0x8000004E  }
0xb4: {  	_ =	swait.ge [sflag:s29], $0x1  }
0xb5: {  	[sflag:s29] =	ssyncadd.s32 $0xFFFFFFFF  }
0xb6: {  	_ =	strace $0x9000004E  }
0xb7: {  	_ =	sfence  }
0xb8: {  	s30 =	sld [smem:$0x0];
	_ =	sdelay $0x2  }
0xb9: {  	s31 =	sshll.u32 s1, $0xD;
	s1 =	sshrl.u32 s1, $0x2  }
0xba: {  	s3 =	sand.u32 $0x4000, s31;
	s1 =	sadd.s32 s1, s30  }
0xbb: {  	s0 =	sor.u32 s3, s0;
	s1 =	sshll.u32 s1, $0x11  }
0xbc: {  	s0 =	sor.u32 s1, s0  }
0xbd: {  	s0 =	sadd.s32 $0x8F2B, s0  }
0xbe: {  	[sflag:s0] =	ssyncadd.remote.s32 $0x1  }
0xbf: {  	_ =	sfence.sel $0xFFFF  }
0xc0: {  	[dreg:$0x0] =	wrdreg $0xFFFFFFFF;
	(pc) =	sbr.abs _section_cstart, $3  }
0xc1: {  	[dreg:$0x1] =	wrdreg $0xFFFFFFFF  }
0xc2: {  	_ =	task.clear_ibuf [dreg:s6], $0x2FFFF;
	_ =	strace $0x9FFFFFFF  }
0xc3: {  	(tm) =	ssettm $0x7FFFFFFF  }
tec
execute0_lowered:
.L_overlay_start_1:
0x0: {  	(tag) =	ssettag $0x1  }
0x1: {  	s6 =	rddreg [dreg:$0x0]  }
0x2: {  	s2 =	rddreg [dreg:$0x1]  }
0x3: {  	s3 =	rddreg [dreg:$0x2];
	s0 =	stileid.u32  }
0x4: {  	s5 =	srdreg.scid;
	s1 =	rddreg [dreg:$0x3];
	s4 =	simm.s32 $0x0  }
0x5: {  	s20 =	simm.s32 $0x1;
	s21 =	simm.s32 $0x80;
	s22 =	simm.s32 $0x2  }
0x6: {  	s23 =	simm.s32 $0x0;
	s8 =	smul.u32 $0xA000, s0;
	s7 =	sand.u32 $0x1, s5  }
0x7: {  	[smem:$0x7FF] =	sst s4;
	s14 =	sadd.s32 $0x21200, s6;
	s15 =	sadd.s32 $0x17200, s6  }
0x8: {  	s5 =	sadd.s32 $0x2B200, s6;
	s31 =	sshll.u32 s0, $0x6;
	s9 =	smul.u32 $0xA0000, s7  }
0x9: {  	_ =	strace $0x8000004D;
	s11 =	ssub.s32 $0x2, s7;
	s29 =	sshll.u32 s7, $0x4  }
0xa: {  	s7 =	sor.u32 $0x1C03, s31;
	s28 =	sshrl.u32 s8, $0x3;
	s12 =	sshrl.u32 s11, $0x1  }
0xb: {  	s30 =	sor.u32 s0, s29;
	s16 =	sadd.s32 s8, s2;
	s18 =	sadd.s32 s8, s3  }
0xc: {  	s10 =	sadd.s32 s28, s6;
	s9 =	sadd.s32 s8, s9;
	s11 =	ssub.s32 s11, s12  }
0xd: {  	s17 =	smul.u32 $0x500, s30;
	s16 =	sshrl.u32 s16, $0x3;
	s18 =	sshrl.u32 s18, $0x3  }
.Ltmp0:
0xe: {  	s9 =	sshrl.u32 s9, $0x3;
	s11 =	smax.u32 s11, $0x1;
	(pc) =	sbr.rel .LBB2_1-.Ltmp0, $4  }
0xf: {  	s13 =	sadd.s32 s9, s6;
	s6 =	sadd.s32 $0x2C600, s10;
	s9 =	sadd.s32 $0x3200, s10  }
0x10: {  	s19 =	sadd.s32 $0x280, s17;
	s12 =	sadd.s32 s14, s17;
	s8 =	sadd.s32 $0x68600, s13  }
0x11: {  	s10 =	sadd.s32 $0x40600, s13;
	s13 =	sadd.s32 s15, s17;
	s14 =	sadd.s32 s14, s19  }
0x12: {  	s15 =	sadd.s32 s15, s19;
	s17 =	simm.s32 $0x3;
	s19 =	simm.s32 $0x2800  }
.LBB2_21:
0x13: {  	_ =	swait.ge [sflag:s22], $0x2000  }
0x14: {  	[sflag:s22] =	ssyncset.done $0x0  }
0x15: {  	[sflag:s22] =	ssyncadd.s32 $0xFFFFE000  }
0x16: {  	_ =	swait.ge [sflag:s22], $0x2000  }
0x17: {  	s23 =	sadd.s32 $0x1, s23;
	[sflag:s22] =	ssyncset.done $0x0  }
0x18: {  	p0 =	sne.s32 s23, s11;
	[sflag:s22] =	ssyncadd.s32 $0xFFFFE000  }
.Ltmp1:
0x19: {  	[bflag:$0x0] =	sbarrier.arrive $0xFFFF;
	(pc) =	sbr.rel @!p0 .LBB2_22-.Ltmp1, $4  }
0x1a: {  	[hbm:s10], [sflag:s7] =	dma.local [spmem:s18], $0x1400  }
0x1b: {  	_ =	swait.ge [sflag:s17], $0x1400  }
0x1c: {  	[sflag:s17] =	ssyncset.done $0x0  }
0x1d: {  	[sflag:s17] =	ssyncadd.s32 $0xFFFFEC00  }
.LBB2_1:
0x1e: {  	[spmem:s16], [sflag:s7] =	dma.local [hbm:s6], $0x1400  }
0x1f: {  	_ =	swait.ge [sflag:s17], $0x1400  }
0x20: {  	[sflag:s17] =	ssyncset.done $0x0  }
0x21: {  	[sflag:s17] =	ssyncadd.s32 $0xFFFFEC00  }
0x22: {  	[spmem:s18], [sflag:s7] =	dma.local [hbm:s5], $0x1400  }
0x23: {  	_ =	swait.ge [sflag:s17], $0x1400  }
0x24: {  	[sflag:s17] =	ssyncset.done $0x0  }
0x25: {  	[sflag:s17] =	ssyncadd.s32 $0xFFFFEC00  }
0x26: {  	[bflag:$0x0] =	sbarrier.arrive $0xFFFF  }
0x27: {  	[tilespmem:s4], [sflag:$0x3] =	stream.linear.gather [hbm4b:s12+s4], $0x1400, $0x38;
	[tilespmem:$0x1A800] =	vst v63  }
0x28: {  	_ =	swait.ge [sflag:s17], $0x1400  }
0x29: {  	[sflag:s17] =	ssyncset.done $0x0  }
0x2a: {  	s24 =	simm.s32 $0x1400;
	[sflag:s17] =	ssyncadd.s32 $0xFFFFEC00  }
0x2b: {  	[tilespmem:s24], [sflag:$0x3] =	stream.linear.gather [hbm4b:s13+s4], $0x1400, $0x38;
	[tilespmem:$0x1A800] =	vst v63  }
.Ltmp2:
0x2c: {  	_ = 	snop;
	(pc) =	sbr.rel .LBB2_2-.Ltmp2, $4  }
0x2d: {  	_ =	swait.ge [sflag:s17], $0x1400  }
0x2e: {  	s25 =	simm.s32 $0x80;
	[sflag:s17] =	ssyncset.done $0x0  }
0x2f: {  	s26 =	simm.s32 $0x0;
	s28 =	simm.s32 $0x0;
	[sflag:s17] =	ssyncadd.s32 $0xFFFFEC00  }
0x30: {  	[tilespmem:s19], [sflag:$0x1] =	stream.indirect.gather [spmem:s2], $0x40, s4, s21, $0xb8;
	[tilespmem:$0x1A800] =	vst v63  }
.LBB2_5:
0x31: {  	s28 =	sadd.s32 $0x1, s28  }
0x32: {  	p0 =	sne.s32 s28, $0x28  }
.Ltmp3:
0x33: {  	s26 =	sadd.s32 $0x2000, s26;
	(pc) =	sbr.rel @!p0 .LBB2_6-.Ltmp3, $4  }
0x34: {  	s29 =	sand.u32 $0x2000, s26  }
0x35: {  	s29 =	sadd.s32 $0x2800, s29  }
0x36: {  	[tilespmem:s29], [sflag:$0x1] =	stream.indirect.gather [spmem:s2], $0x40, s25, s21, $0xb8;
	[tilespmem:$0x1A800] =	vst v63  }
0x37: {  	s24 =	sadd.s32 $0x80, s24;
	s25 =	sadd.s32 $0x80, s25  }
.LBB2_2:
0x38: {  	p0 =	seq.s32 s28, $0x0  }
.Ltmp4:
0x39: {  	_ = 	snop;
	(pc) =	sbr.rel @p0 .LBB2_5-.Ltmp4, $4  }
0x3a: {  	_ =	swait.ge [sflag:s20], $0x2000  }
0x3b: {  	s29 =	sand.u32 $0x2000, s26;
	[sflag:s20] =	ssyncset.done $0x0  }
0x3c: {  	s29 =	sadd.s32 $0x2800, s29;
	[sflag:s20] =	ssyncadd.s32 $0xFFFFE000  }
0x3d: {  	[spmem:s3] =	stream.indirect.scatter.add.f32 [tilespmem:s29], [sflag:$0x2], $0x40, s24, s21, $0xb8;
	[tilespmem:$0x1A800] =	vst v63  }
0x3e: {  	p0 =	seq.s32 s28, $0x27  }
.Ltmp5:
0x3f: {  	_ = 	snop;
	(pc) =	sbr.rel @p0 .LBB2_6-.Ltmp5, $1  }
0x40: {  	_ =	sdelay $0x3  }
.Ltmp6:
0x41: {  	(pc) =	sbr.rel .LBB2_5-.Ltmp6, $4  }
0x42: {  	_ = 	snop  }
0x43: {  	_ =	swait.ge [sflag:s22], $0x2000  }
0x44: {  	[sflag:s22] =	ssyncset.done $0x0  }
0x45: {  	[sflag:s22] =	ssyncadd.s32 $0xFFFFE000  }
.LBB2_6:
0x46: {  	_ =	swait.ge [sflag:s22], $0x2000  }
0x47: {  	[sflag:s22] =	ssyncset.done $0x0  }
0x48: {  	[sflag:s22] =	ssyncadd.s32 $0xFFFFE000  }
0x49: {  	_ =	swait.ge [sflag:s22], $0x2000  }
0x4a: {  	[sflag:s22] =	ssyncset.done $0x0  }
0x4b: {  	s24 =	simm.s32 $0x0;
	[sflag:s22] =	ssyncadd.s32 $0xFFFFE000  }
0x4c: {  	[tilespmem:s24], [sflag:$0x3] =	stream.linear.gather [hbm4b:s14+s24], $0x1400, $0x38;
	[tilespmem:$0x1A800] =	vst v63  }
0x4d: {  	_ =	swait.ge [sflag:s17], $0x1400  }
0x4e: {  	[sflag:s17] =	ssyncset.done $0x0  }
0x4f: {  	s25 =	simm.s32 $0x1400;
	[sflag:s17] =	ssyncadd.s32 $0xFFFFEC00  }
0x50: {  	[tilespmem:s25], [sflag:$0x3] =	stream.linear.gather [hbm4b:s15+s24], $0x1400, $0x38;
	[tilespmem:$0x1A800] =	vst v63  }
.Ltmp7:
0x51: {  	_ = 	snop;
	(pc) =	sbr.rel .LBB2_7-.Ltmp7, $4  }
0x52: {  	_ =	swait.ge [sflag:s17], $0x1400  }
0x53: {  	[sflag:s17] =	ssyncset.done $0x0  }
0x54: {  	s26 =	simm.s32 $0x80;
	s28 =	simm.s32 $0x2000;
	[sflag:s17] =	ssyncadd.s32 $0xFFFFEC00  }
0x55: {  	[tilespmem:s19], [sflag:$0x1] =	stream.indirect.gather [spmem:s2], $0x40, s24, s26, $0xb8;
	[tilespmem:$0x1A800] =	vst v63  }
.LBB2_10:
0x56: {  	s24 =	sadd.s32 $0x1, s24  }
0x57: {  	p0 =	sne.s32 s24, $0x28  }
.Ltmp8:
0x58: {  	_ = 	snop;
	(pc) =	sbr.rel @!p0 .LBB2_11-.Ltmp8, $4  }
0x59: {  	s29 =	sand.u32 $0x2000, s28  }
0x5a: {  	s29 =	sadd.s32 $0x2800, s29  }
0x5b: {  	[tilespmem:s29], [sflag:$0x1] =	stream.indirect.gather [spmem:s2], $0x40, s26, s21, $0xb8;
	[tilespmem:$0x1A800] =	vst v63  }
0x5c: {  	s28 =	sadd.s32 $0x2000, s28;
	s25 =	sadd.s32 $0x80, s25;
	s26 =	sadd.s32 $0x80, s26  }
.LBB2_7:
0x5d: {  	p0 =	seq.s32 s24, $0x0  }
.Ltmp9:
0x5e: {  	_ = 	snop;
	(pc) =	sbr.rel @p0 .LBB2_10-.Ltmp9, $4  }
0x5f: {  	s29 =	sadd.s32 $0xFFFFE000, s28;
	_ =	swait.ge [sflag:s20], $0x2000  }
0x60: {  	s29 =	sand.u32 $0x2000, s29;
	[sflag:s20] =	ssyncset.done $0x0  }
0x61: {  	s29 =	sadd.s32 $0x2800, s29;
	[sflag:s20] =	ssyncadd.s32 $0xFFFFE000  }
0x62: {  	[spmem:s3] =	stream.indirect.scatter.add.f32 [tilespmem:s29], [sflag:$0x2], $0x40, s25, s21, $0xb8;
	[tilespmem:$0x1A800] =	vst v63  }
0x63: {  	p0 =	seq.s32 s24, $0x27  }
.Ltmp10:
0x64: {  	_ = 	snop;
	(pc) =	sbr.rel @p0 .LBB2_11-.Ltmp10, $1  }
0x65: {  	_ =	sdelay $0x3  }
.Ltmp11:
0x66: {  	(pc) =	sbr.rel .LBB2_10-.Ltmp11, $4  }
0x67: {  	_ = 	snop  }
0x68: {  	_ =	swait.ge [sflag:s22], $0x2000  }
0x69: {  	[sflag:s22] =	ssyncset.done $0x0  }
0x6a: {  	[sflag:s22] =	ssyncadd.s32 $0xFFFFE000  }
.LBB2_11:
0x6b: {  	_ =	swait.ge [sflag:s22], $0x2000  }
0x6c: {  	[sflag:s22] =	ssyncset.done $0x0  }
0x6d: {  	[sflag:s22] =	ssyncadd.s32 $0xFFFFE000  }
0x6e: {  	_ =	swait.ge [sflag:s22], $0x2000  }
0x6f: {  	[sflag:s22] =	ssyncset.done $0x0  }
0x70: {  	[sflag:s22] =	ssyncadd.s32 $0xFFFFE000  }
0x71: {  	[bflag:$0x0] =	sbarrier.arrive $0xFFFF  }
0x72: {  	[hbm:s8], [sflag:s7] =	dma.local [spmem:s18], $0x1400  }
0x73: {  	_ =	swait.ge [sflag:s17], $0x1400  }
0x74: {  	[sflag:s17] =	ssyncset.done $0x0  }
0x75: {  	[sflag:s17] =	ssyncadd.s32 $0xFFFFEC00  }
0x76: {  	[spmem:s16], [sflag:s7] =	dma.local [hbm:s9], $0x1400  }
0x77: {  	_ =	swait.ge [sflag:s17], $0x1400  }
0x78: {  	[sflag:s17] =	ssyncset.done $0x0  }
0x79: {  	[sflag:s17] =	ssyncadd.s32 $0xFFFFEC00  }
0x7a: {  	[spmem:s18], [sflag:s7] =	dma.local [hbm:s5], $0x1400  }
0x7b: {  	_ =	swait.ge [sflag:s17], $0x1400  }
0x7c: {  	[sflag:s17] =	ssyncset.done $0x0  }
0x7d: {  	[sflag:s17] =	ssyncadd.s32 $0xFFFFEC00  }
0x7e: {  	s24 =	simm.s32 $0x0;
	[bflag:$0x0] =	sbarrier.arrive $0xFFFF  }
0x7f: {  	[tilespmem:s24], [sflag:$0x3] =	stream.linear.gather [hbm4b:s12+s24], $0x1400, $0x38;
	[tilespmem:$0x1A800] =	vst v63  }
0x80: {  	_ =	swait.ge [sflag:s17], $0x1400  }
0x81: {  	[sflag:s17] =	ssyncset.done $0x0  }
0x82: {  	s25 =	simm.s32 $0x1400;
	[sflag:s17] =	ssyncadd.s32 $0xFFFFEC00  }
0x83: {  	[tilespmem:s25], [sflag:$0x3] =	stream.linear.gather [hbm4b:s13+s24], $0x1400, $0x38;
	[tilespmem:$0x1A800] =	vst v63  }
.Ltmp12:
0x84: {  	_ = 	snop;
	(pc) =	sbr.rel .LBB2_12-.Ltmp12, $4  }
0x85: {  	_ =	swait.ge [sflag:s17], $0x1400  }
0x86: {  	[sflag:s17] =	ssyncset.done $0x0  }
0x87: {  	s26 =	simm.s32 $0x80;
	s28 =	simm.s32 $0x0;
	[sflag:s17] =	ssyncadd.s32 $0xFFFFEC00  }
0x88: {  	[tilespmem:s19], [sflag:$0x1] =	stream.indirect.gather [spmem:s2], $0x40, s24, s26, $0xb8;
	[tilespmem:$0x1A800] =	vst v63  }
.LBB2_15:
0x89: {  	s28 =	sadd.s32 $0x1, s28  }
0x8a: {  	p0 =	sne.s32 s28, $0x28  }
.Ltmp13:
0x8b: {  	s24 =	sadd.s32 $0x2000, s24;
	(pc) =	sbr.rel @!p0 .LBB2_16-.Ltmp13, $4  }
0x8c: {  	s29 =	sand.u32 $0x2000, s24  }
0x8d: {  	s29 =	sadd.s32 $0x2800, s29  }
0x8e: {  	[tilespmem:s29], [sflag:$0x1] =	stream.indirect.gather [spmem:s2], $0x40, s26, s21, $0xb8;
	[tilespmem:$0x1A800] =	vst v63  }
0x8f: {  	s25 =	sadd.s32 $0x80, s25;
	s26 =	sadd.s32 $0x80, s26  }
.LBB2_12:
0x90: {  	p0 =	seq.s32 s28, $0x0  }
.Ltmp14:
0x91: {  	_ = 	snop;
	(pc) =	sbr.rel @p0 .LBB2_15-.Ltmp14, $4  }
0x92: {  	_ =	swait.ge [sflag:s20], $0x2000  }
0x93: {  	s29 =	sand.u32 $0x2000, s24;
	[sflag:s20] =	ssyncset.done $0x0  }
0x94: {  	s29 =	sadd.s32 $0x2800, s29;
	[sflag:s20] =	ssyncadd.s32 $0xFFFFE000  }
0x95: {  	[spmem:s3] =	stream.indirect.scatter.add.f32 [tilespmem:s29], [sflag:$0x2], $0x40, s25, s21, $0xb8;
	[tilespmem:$0x1A800] =	vst v63  }
0x96: {  	p0 =	seq.s32 s28, $0x27  }
.Ltmp15:
0x97: {  	_ = 	snop;
	(pc) =	sbr.rel @p0 .LBB2_16-.Ltmp15, $1  }
0x98: {  	_ =	sdelay $0x3  }
.Ltmp16:
0x99: {  	(pc) =	sbr.rel .LBB2_15-.Ltmp16, $4  }
0x9a: {  	_ = 	snop  }
0x9b: {  	_ =	swait.ge [sflag:s22], $0x2000  }
0x9c: {  	[sflag:s22] =	ssyncset.done $0x0  }
0x9d: {  	[sflag:s22] =	ssyncadd.s32 $0xFFFFE000  }
.LBB2_16:
0x9e: {  	_ =	swait.ge [sflag:s22], $0x2000  }
0x9f: {  	[sflag:s22] =	ssyncset.done $0x0  }
0xa0: {  	[sflag:s22] =	ssyncadd.s32 $0xFFFFE000  }
0xa1: {  	_ =	swait.ge [sflag:s22], $0x2000  }
0xa2: {  	[sflag:s22] =	ssyncset.done $0x0  }
0xa3: {  	s24 =	simm.s32 $0x0;
	[sflag:s22] =	ssyncadd.s32 $0xFFFFE000  }
0xa4: {  	[tilespmem:s24], [sflag:$0x3] =	stream.linear.gather [hbm4b:s14+s24], $0x1400, $0x38;
	[tilespmem:$0x1A800] =	vst v63  }
0xa5: {  	_ =	swait.ge [sflag:s17], $0x1400  }
0xa6: {  	[sflag:s17] =	ssyncset.done $0x0  }
0xa7: {  	s25 =	simm.s32 $0x1400;
	[sflag:s17] =	ssyncadd.s32 $0xFFFFEC00  }
0xa8: {  	[tilespmem:s25], [sflag:$0x3] =	stream.linear.gather [hbm4b:s15+s24], $0x1400, $0x38;
	[tilespmem:$0x1A800] =	vst v63  }
.Ltmp17:
0xa9: {  	_ = 	snop;
	(pc) =	sbr.rel .LBB2_17-.Ltmp17, $4  }
0xaa: {  	_ =	swait.ge [sflag:s17], $0x1400  }
0xab: {  	[sflag:s17] =	ssyncset.done $0x0  }
0xac: {  	s26 =	simm.s32 $0x80;
	s28 =	simm.s32 $0x2000;
	[sflag:s17] =	ssyncadd.s32 $0xFFFFEC00  }
0xad: {  	[tilespmem:s19], [sflag:$0x1] =	stream.indirect.gather [spmem:s2], $0x40, s24, s26, $0xb8;
	[tilespmem:$0x1A800] =	vst v63  }
.LBB2_20:
0xae: {  	s24 =	sadd.s32 $0x1, s24  }
0xaf: {  	p0 =	sne.s32 s24, $0x28  }
.Ltmp18:
0xb0: {  	_ = 	snop;
	(pc) =	sbr.rel @!p0 .LBB2_21-.Ltmp18, $4  }
0xb1: {  	s29 =	sand.u32 $0x2000, s28  }
0xb2: {  	s29 =	sadd.s32 $0x2800, s29  }
0xb3: {  	[tilespmem:s29], [sflag:$0x1] =	stream.indirect.gather [spmem:s2], $0x40, s26, s21, $0xb8;
	[tilespmem:$0x1A800] =	vst v63  }
0xb4: {  	s28 =	sadd.s32 $0x2000, s28;
	s25 =	sadd.s32 $0x80, s25;
	s26 =	sadd.s32 $0x80, s26  }
.LBB2_17:
0xb5: {  	p0 =	seq.s32 s24, $0x0  }
.Ltmp19:
0xb6: {  	_ = 	snop;
	(pc) =	sbr.rel @p0 .LBB2_20-.Ltmp19, $4  }
0xb7: {  	s29 =	sadd.s32 $0xFFFFE000, s28;
	_ =	swait.ge [sflag:s20], $0x2000  }
0xb8: {  	s29 =	sand.u32 $0x2000, s29;
	[sflag:s20] =	ssyncset.done $0x0  }
0xb9: {  	s29 =	sadd.s32 $0x2800, s29;
	[sflag:s20] =	ssyncadd.s32 $0xFFFFE000  }
0xba: {  	[spmem:s3] =	stream.indirect.scatter.add.f32 [tilespmem:s29], [sflag:$0x2], $0x40, s25, s21, $0xb8;
	[tilespmem:$0x1A800] =	vst v63  }
0xbb: {  	p0 =	seq.s32 s24, $0x27  }
.Ltmp20:
0xbc: {  	_ = 	snop;
	(pc) =	sbr.rel @p0 .LBB2_21-.Ltmp20, $1  }
0xbd: {  	_ =	sdelay $0x3  }
.Ltmp21:
0xbe: {  	(pc) =	sbr.rel .LBB2_20-.Ltmp21, $4  }
0xbf: {  	_ = 	snop  }
0xc0: {  	_ =	swait.ge [sflag:s22], $0x2000  }
0xc1: {  	[sflag:s22] =	ssyncset.done $0x0  }
0xc2: {  	[sflag:s22] =	ssyncadd.s32 $0xFFFFE000  }
.LBB2_22:
0xc3: {  	_ =	sfence.sel $0x180000  }
0xc4: {  	[bflag:$0x0] =	sbarrier.arrive $0xFFFF  }
0xc5: {  	p0 =	sne.s32 s0, $0x0;
	_ =	strace $0x9000004D  }
0xc6: {  	s0 =	sadd.s32 @!p0 $0x100000, s1;
	[bflag:$0x2] =	sbarrier.arrive $0xFFFF  }
0xc7: {  	[sflag:s0] =	ssyncadd.tile.s32 @!p0 $0x1;
	_ =	shalt  }
.Lfunc_end2:
_tile_overlayer_lowered:
.L_overlay_start_2:
0xc8: {  	(tag) =	ssettag $0x2  }
0xc9: {  	s0 =	rddreg [dreg:$0x0];
	s2 =	stileid.u32  }
0xca: {  	s1 =	rddreg [dreg:$0x1];
	p0 =	sne.s32 s2, $0x0  }
0xcb: {  	s3 =	rddreg [dreg:$0x2];
	[bflag:$0x3] =	sbarrier.arrive $0xFFFF;
	s2 =	simm.s32 @!p0 $0x1C03  }
0xcc: {  	[timem:s3], [sflag:s2] =	dma.local @!p0 [hbm:s0], s1  }
0xcd: {  	s0 =	simm.s32 @!p0 $0x3  }
0xce: {  	_ =	swait.ge @!p0 [sflag:s0], s1  }
0xcf: {  	s1 =	ssub.s32 @!p0 $0x0, s1;
	[sflag:s0] =	ssyncset.done @!p0 $0x0  }
0xd0: {  	[sflag:s0] =	ssyncadd.s32 @!p0 s1  }
0xd1: {  	[bflag:$0x3] =	sbarrier.arrive $0xFFFF  }
0xd2: {  	_ =	shalt  }

// kernel: kernel.9.cloned.1.call-start
scs
__scs_entry_jumppad:
0x0: {  	(pc) =	sbr.rel $0x88, $3  }
0x1: {  	(tag) =	ssettag $0x0;
	lr =	simm.s32 $0x1  }
0x2: {  	[smem:$0x3F8F] =	sst lr;
	_ =	strace $0xD0000000  }
0x3: {  	_ = 	snop  }
0x4: {  	_ = 	snop  }
0x5: {  	_ = 	snop  }
0x6: {  	_ = 	snop  }
0x7: {  	_ = 	snop  }
__scs_overlays_trampoline_lowered:
0x8: {  	[smem:$0x3F9E] =	sst s0  }
0x9: {  	[smem:$0x3F9F] =	sst s1  }
0xa: {  	[smem:$0x3FA0] =	sst s2  }
0xb: {  	[smem:$0x3FA1] =	sst s3  }
0xc: {  	[smem:$0x3FA2] =	sst s4  }
0xd: {  	[smem:$0x3FA3] =	sst s5  }
0xe: {  	[smem:$0x3FA4] =	sst s6  }
0xf: {  	[smem:$0x3FA5] =	sst s7  }
0x10: {  	[smem:$0x3FA6] =	sst s8  }
0x11: {  	[smem:$0x3FA7] =	sst s9;
	s0 =	simm.s32 @!p0 $0x0  }
0x12: {  	s1 =	sld [smem:$0x3F8D];
	s0 =	simm.s32 @p0 $0x1  }
0x13: {  	[smem:$0x3FA8] =	sst s0;
	s0 =	simm.s32 @!p1 $0x0  }
0x14: {  	s2 =	sld [smem:$0x3F8C];
	s0 =	simm.s32 @p1 $0x1  }
0x15: {  	[smem:$0x3FA9] =	sst s0;
	s0 =	simm.s32 @!p2 $0x0  }
0x16: {  	s3 =	sld [smem:$0x3FDB];
	s0 =	simm.s32 @p2 $0x1  }
0x17: {  	s4 =	simm.s32 $0x1BF5;
	[smem:$0x3FAB] =	sst s0  }
0x18: {  	s0 =	sld [smem:$0x3F8E];
	_ =	swait.ge [sflag:s4], $0x0  }
0x19: {  	s7 =	sld [smem:$0x3F8F]  }
0x1a: {  	s8 =	sadd.s32 $0xFFFFE003, lr  }
0x1b: {  	s9 =	sadd.s32 $0xFFFFFEF7, lr;
	s5 =	simm.s32 $0xFFFFFFFF;
	p2 =	slt.u32 s8, $0xFFFFF086  }
0x1c: {  	p1 =	slt.u32 s9, $0xF7A;
	s5 =	simm.s32 @!p2 $0x0  }
0x1d: {  	s5 =	simm.s32 @p1 $0x1;
	p0 =	seq.s32 s7, s2  }
0x1e: {  	s7 =	smul.u32 @!p0 $0xF7A, s2;
	p2 =	seq.s32 @!p0 s5, $0x0  }
0x1f: {  	s9 =	smul.u32 $0xF7A, s1;
	s8 =	simm.s32 @!p0 $0x1BF5;
	p2 =	por !p2, p0  }
0x20: {  	[sflag:s8] =	ssyncset.s32 @!p0 $0xFFFFF086;
	s6 =	sadd.s32 @!p0 s3, s7;
	s7 =	simm.s32 @!p0 $0x108  }
0x21: {  	s3 =	sadd.s32 s3, s9;
	s6 =	sadd.s32 @!p0 $0x88, s6;
	s7 =	simm.s32 @p2 $0x1082  }
0x22: {  	[simem:s7], [sflag:s8] =	dma.local @!p0 [hbm:s6], $0xF7A  }
0x23: {  	s9 =	sor.u32 $0xD0000000, s2;
	s6 =	simm.s32 $0x108;
	_ =	swait.ge @!p0 [sflag:s8], $0x0  }
0x24: {  	s3 =	sadd.s32 $0x88, s3;
	s6 =	simm.s32 @!p1 $0x1082;
	[sflag:s4] =	ssyncset.s32 $0xFFFFF086  }
0x25: {  	[simem:s6], [sflag:s4] =	dma.local [hbm:s3], $0xF7A  }
0x26: {  	[smem:$0x3F8F] =	sst s1;
	(tag) =	ssettag s2;
	_ =	strace s9  }
0x27: {  	s1 =	sld [smem:$0x3F9F]  }
0x28: {  	s2 =	sld [smem:$0x3FA0]  }
0x29: {  	s4 =	sld [smem:$0x3FA2]  }
0x2a: {  	p0 =	seq.s32 s5, $0x0;
	s5 =	sld [smem:$0x3FA3]  }
0x2b: {  	s6 =	sld [smem:$0x3FA4]  }
0x2c: {  	s7 =	sld [smem:$0x3FA5]  }
0x2d: {  	s3 =	simm.s32 $0x108;
	s8 =	sld [smem:$0x3FA6]  }
0x2e: {  	s3 =	simm.s32 @!p0 $0x1082;
	s9 =	sld [smem:$0x3FA7]  }
0x2f: {  	lr =	sadd.s32 s0, s3;
	s0 =	sld [smem:$0x3F9E]  }
0x30: {  	s3 =	sld [smem:$0x3FA1]  }
0x31: {  	[smem:$0x3FAA] =	sst s10  }
0x32: {  	s10 =	sld [smem:$0x3FA8];
	_ =	sdelay $0x3  }
0x33: {  	p0 =	seq.s32 s10, $0x1;
	s10 =	sld [smem:$0x3FAA];
	_ =	sdelay $0x3  }
0x34: {  	[smem:$0x3FAA] =	sst s10  }
0x35: {  	s10 =	sld [smem:$0x3FA9];
	_ =	sdelay $0x3  }
0x36: {  	p1 =	seq.s32 s10, $0x1;
	s10 =	sld [smem:$0x3FAA];
	_ =	sdelay $0x3  }
0x37: {  	[smem:$0x3FAA] =	sst s10  }
0x38: {  	s10 =	sld [smem:$0x3FAB]  }
0x39: {  	_ = 	snop;
	(pc) =	sbr.ind lr, $3  }
0x3a: {  	_ = 	snop  }
0x3b: {  	_ = 	snop  }
0x3c: {  	p2 =	seq.s32 s10, $0x1;
	s10 =	sld [smem:$0x3FAA]  }
0x3d: {  	_ =	shalt  }
0x3e: {  	_ =	shalt  }
0x3f: {  	_ =	shalt  }
0x40: {  	_ =	shalt  }
0x41: {  	_ =	shalt  }
0x42: {  	_ =	shalt  }
0x43: {  	_ =	shalt  }
0x44: {  	_ =	shalt  }
0x45: {  	_ =	shalt  }
0x46: {  	_ =	shalt  }
0x47: {  	_ =	shalt  }
0x48: {  	_ =	shalt  }
0x49: {  	_ =	shalt  }
0x4a: {  	_ =	shalt  }
0x4b: {  	_ =	shalt  }
0x4c: {  	_ =	shalt  }
0x4d: {  	_ =	shalt  }
0x4e: {  	_ =	shalt  }
0x4f: {  	_ =	shalt  }
0x50: {  	_ =	shalt  }
0x51: {  	_ =	shalt  }
0x52: {  	_ =	shalt  }
0x53: {  	_ =	shalt  }
0x54: {  	_ =	shalt  }
0x55: {  	_ =	shalt  }
0x56: {  	_ =	shalt  }
0x57: {  	_ =	shalt  }
0x58: {  	_ =	shalt  }
0x59: {  	_ =	shalt  }
0x5a: {  	_ =	shalt  }
0x5b: {  	_ =	shalt  }
0x5c: {  	_ =	shalt  }
0x5d: {  	_ =	shalt  }
0x5e: {  	_ =	shalt  }
0x5f: {  	_ =	shalt  }
0x60: {  	_ =	shalt  }
0x61: {  	_ =	shalt  }
0x62: {  	_ =	shalt  }
0x63: {  	_ =	shalt  }
0x64: {  	_ =	shalt  }
0x65: {  	_ =	shalt  }
0x66: {  	_ =	shalt  }
0x67: {  	_ =	shalt  }
0x68: {  	_ =	shalt  }
0x69: {  	_ =	shalt  }
0x6a: {  	_ =	shalt  }
0x6b: {  	_ =	shalt  }
0x6c: {  	_ =	shalt  }
0x6d: {  	_ =	shalt  }
0x6e: {  	_ =	shalt  }
0x6f: {  	_ =	shalt  }
0x70: {  	_ =	shalt  }
0x71: {  	_ =	shalt  }
0x72: {  	_ =	shalt  }
0x73: {  	_ =	shalt  }
0x74: {  	_ =	shalt  }
0x75: {  	_ =	shalt  }
0x76: {  	_ =	shalt  }
0x77: {  	_ =	shalt  }
0x78: {  	_ =	shalt  }
0x79: {  	_ =	shalt  }
0x7a: {  	_ =	shalt  }
0x7b: {  	_ =	shalt  }
0x7c: {  	_ =	shalt  }
0x7d: {  	_ =	shalt  }
0x7e: {  	_ =	shalt  }
0x7f: {  	_ =	shalt  }
0x80: {  	_ =	shalt  }
0x81: {  	_ =	shalt  }
0x82: {  	_ =	shalt  }
0x83: {  	_ =	shalt  }
0x84: {  	_ =	shalt  }
0x85: {  	_ =	shalt  }
0x86: {  	_ =	shalt  }
0x87: {  	_ =	shalt  }
.Lfunc_end0:
.L_simem_size_0:
called_computation_lowered:
.L_overlay_start_0:
0x88: {  	s2 =	sld [smem:$0x3FD9]  }
0x89: {  	s3 =	sld [smem:$0x3FFE];
	_ =	sdelay $0x1  }
0x8a: {  	s1 =	srdreg.scid  }
0x8b: {  	s0 =	sand.u32 $0x1, s1  }
0x8c: {  	s16 =	sshll.u32 s0, $0xA;
	s2 =	sadd.s32 s3, s2  }
0x8d: {  	s2 =	sadd.s32 s2, s16  }
0x8e: {  	[smem:$0x3FB6] =	sst s2  }
0x8f: {  	_ = 	snop  }
0x90: {  	(tm) =	ssettm $0x1  }
0x91: {  	s17 =	sld [smem:$0x3FFB];
	_ =	sdelay $0x3  }
0x92: {  	_ =	strace s17  }
0x93: {  	s2 =	sld [smem:$0x3FFC];
	_ =	sdelay $0x3  }
0x94: {  	_ =	strace s2  }
0x95: {  	s2 =	sld [smem:$0x3FFD];
	_ =	sdelay $0x3  }
0x96: {  	_ =	strace s2  }
0x97: {  	_ =	strace $0x8FFFFFFF  }
0x98: {  	s18 =	sld [smem:$0x3FDB];
	_ =	sdelay $0x1  }
0x99: {  	s19 =	simm.s32 $_scs_section_size  }
0x9a: {  	s4 =	simm.s32 $_size__tile_overlayer_lowered;
	s5 =	simm.s32 $_tile_overlayer_lowered  }
0x9b: {  	s22 =	simm.s32 $0x1BFF;
	s21 =	sshll.u32 s5, $0x1;
	s2 =	sadd.s32 s19, s18  }
0x9c: {  	s6 =	simm.s32 $0x0;
	s20 =	sshll.u32 s4, $0x1;
	s4 =	sadd.s32 s21, s2  }
0x9d: {  	[timem:s6], [sflag:s22] =	dma.local [hbm:s4], s20  }
0x9e: {  	_ =	swait.ge [sflag:s22], s20  }
0x9f: {  	s3 =	ssub.s32 $0x0, s20;
	[sflag:s22] =	ssyncset.done $0x0  }
0xa0: {  	[sflag:s22] =	ssyncadd.s32 s3;
	_ =	sdelay $0x1  }
0xa1: {  	s23 =	simm.s32 $0x1B8B  }
0xa2: {  	_ =	swait.ge [sflag:s23], $0x1  }
0xa3: {  	[sflag:s23] =	ssyncset.done $0x0  }
0xa4: {  	s25 =	simm.s32 $0x1B8E;
	s24 =	sld [smem:$0x3FFE];
	[sflag:s23] =	ssyncadd.s32 $0xFFFFFFFF  }
0xa5: {  	s26 =	simm.s32 $execute0_lowered;
	[smem:$0x3FD2] =	sst s25  }
0xa6: {  	s4 =	sshll.u32 s26, $0x1;
	_ =	strace $0x80000046;
	[dreg:$0x1] =	wrdreg $0xFFFFFFFF  }
0xa7: {  	s28 =	simm.s32 $_size_execute0_lowered;
	s2 =	sadd.s32 s2, s4;
	[dreg:$0x0] =	wrdreg $0x0  }
0xa8: {  	s4 =	sshll.u32 s28, $0x1;
	[dreg:$0x2] =	wrdreg s2  }
0xa9: {  	[dreg:$0x3] =	wrdreg s4  }
0xaa: {  	[dreg:$0x4] =	wrdreg $0xC0  }
0xab: {  	_ =	task [dreg:s6], $0x5FFFF  }
0xac: {  	[dreg:$0x1] =	wrdreg $0xFFFFFFFF  }
0xad: {  	[dreg:$0x0] =	wrdreg $0x60  }
0xae: {  	[dreg:$0x2] =	wrdreg s24  }
0xaf: {  	[dreg:$0x3] =	wrdreg $0x68000  }
0xb0: {  	[dreg:$0x4] =	wrdreg $0x108000  }
0xb1: {  	[dreg:$0x5] =	wrdreg $0x9  }
0xb2: {  	_ =	task.clear_ibuf [dreg:s6], $0x6FFFF;
	_ =	strace $0x90000046  }
0xb3: {  	s29 =	simm.s32 $0x9;
	_ =	strace $0x80000048  }
0xb4: {  	_ =	swait.ge [sflag:s29], $0x1  }
0xb5: {  	[sflag:s29] =	ssyncadd.s32 $0xFFFFFFFF  }
0xb6: {  	_ =	strace $0x90000048  }
0xb7: {  	_ =	sfence  }
0xb8: {  	s30 =	sld [smem:$0x0];
	_ =	sdelay $0x2  }
0xb9: {  	s31 =	sshll.u32 s1, $0xD;
	s1 =	sshrl.u32 s1, $0x2  }
0xba: {  	s3 =	sand.u32 $0x4000, s31;
	s1 =	sadd.s32 s1, s30  }
0xbb: {  	s0 =	sor.u32 s3, s0;
	s1 =	sshll.u32 s1, $0x11  }
0xbc: {  	s0 =	sor.u32 s1, s0  }
0xbd: {  	s0 =	sadd.s32 $0x8F2B, s0  }
0xbe: {  	[sflag:s0] =	ssyncadd.remote.s32 $0x1  }
0xbf: {  	_ =	sfence.sel $0xFFFF  }
0xc0: {  	[dreg:$0x0] =	wrdreg $0xFFFFFFFF;
	(pc) =	sbr.abs _section_cstart, $3  }
0xc1: {  	[dreg:$0x1] =	wrdreg $0xFFFFFFFF  }
0xc2: {  	_ =	task.clear_ibuf [dreg:s6], $0x2FFFF;
	_ =	strace $0x9FFFFFFF  }
0xc3: {  	(tm) =	ssettm $0x7FFFFFFF  }
tec
execute0_lowered:
.L_overlay_start_1:
0x0: {  	(tag) =	ssettag $0x1  }
0x1: {  	s6 =	rddreg [dreg:$0x0]  }
0x2: {  	s2 =	rddreg [dreg:$0x1]  }
0x3: {  	s3 =	rddreg [dreg:$0x2]  }
0x4: {  	s0 =	rddreg [dreg:$0x3];
	s1 =	stileid.u32  }
0x5: {  	s4 =	simm.s32 $0x0;
	s5 =	srdreg.scid;
	s18 =	simm.s32 $0x1  }
0x6: {  	s19 =	simm.s32 $0x80;
	s20 =	simm.s32 $0x2;
	s21 =	simm.s32 $0x0  }
0x7: {  	s8 =	smul.u32 $0xA000, s1;
	[smem:$0x7FF] =	sst s4;
	s7 =	sand.u32 $0x1, s5  }
0x8: {  	s12 =	sadd.s32 $0x21200, s6;
	s13 =	sadd.s32 $0x17200, s6;
	s5 =	sadd.s32 $0x2B200, s6  }
0x9: {  	s31 =	sshll.u32 s1, $0x6;
	_ =	strace $0x80000047;
	s9 =	smul.u32 $0xA0000, s7  }
0xa: {  	s11 =	ssub.s32 $0x2, s7;
	s7 =	sshll.u32 s7, $0x4;
	s28 =	sshrl.u32 s8, $0x3  }
0xb: {  	s14 =	sshrl.u32 s11, $0x1;
	s29 =	sor.u32 s1, s7;
	s30 =	sadd.s32 s8, s2  }
0xc: {  	s7 =	sor.u32 $0x1C03, s31;
	s16 =	sadd.s32 s8, s3;
	s10 =	sadd.s32 s28, s6  }
0xd: {  	s9 =	sadd.s32 s8, s9;
	s11 =	ssub.s32 s11, s14;
	s15 =	smul.u32 $0x500, s29  }
.Ltmp0:
0xe: {  	s14 =	sshrl.u32 s30, $0x3;
	s9 =	sshrl.u32 s9, $0x3;
	(pc) =	sbr.rel .LBB2_1-.Ltmp0, $4  }
0xf: {  	s16 =	sshrl.u32 s16, $0x3;
	s9 =	sadd.s32 s9, s6;
	s6 =	sadd.s32 $0x3200, s10  }
0x10: {  	s17 =	sadd.s32 $0x280, s15;
	s10 =	sadd.s32 s12, s15;
	s8 =	sadd.s32 $0x2C600, s9  }
0x11: {  	s9 =	smax.u32 s11, $0x1;
	s11 =	sadd.s32 s13, s15;
	s12 =	sadd.s32 s12, s17  }
0x12: {  	s13 =	sadd.s32 s13, s17;
	s15 =	simm.s32 $0x3;
	s17 =	simm.s32 $0x2800  }
.LBB2_11:
0x13: {  	_ =	swait.ge [sflag:s20], $0x2000  }
0x14: {  	[sflag:s20] =	ssyncset.done $0x0  }
0x15: {  	[sflag:s20] =	ssyncadd.s32 $0xFFFFE000  }
0x16: {  	_ =	swait.ge [sflag:s20], $0x2000  }
0x17: {  	s21 =	sadd.s32 $0x1, s21;
	[sflag:s20] =	ssyncset.done $0x0  }
0x18: {  	p0 =	sne.s32 s21, s9;
	[sflag:s20] =	ssyncadd.s32 $0xFFFFE000  }
.Ltmp1:
0x19: {  	[bflag:$0x0] =	sbarrier.arrive $0xFFFF;
	(pc) =	sbr.rel @!p0 .LBB2_12-.Ltmp1, $4  }
0x1a: {  	[hbm:s8], [sflag:s7] =	dma.local [spmem:s16], $0x1400  }
0x1b: {  	_ =	swait.ge [sflag:s15], $0x1400  }
0x1c: {  	[sflag:s15] =	ssyncset.done $0x0  }
0x1d: {  	[sflag:s15] =	ssyncadd.s32 $0xFFFFEC00  }
.LBB2_1:
0x1e: {  	[spmem:s14], [sflag:s7] =	dma.local [hbm:s6], $0x1400  }
0x1f: {  	_ =	swait.ge [sflag:s15], $0x1400  }
0x20: {  	[sflag:s15] =	ssyncset.done $0x0  }
0x21: {  	[sflag:s15] =	ssyncadd.s32 $0xFFFFEC00  }
0x22: {  	[spmem:s16], [sflag:s7] =	dma.local [hbm:s5], $0x1400  }
0x23: {  	_ =	swait.ge [sflag:s15], $0x1400  }
0x24: {  	[sflag:s15] =	ssyncset.done $0x0  }
0x25: {  	[sflag:s15] =	ssyncadd.s32 $0xFFFFEC00  }
0x26: {  	[bflag:$0x0] =	sbarrier.arrive $0xFFFF  }
0x27: {  	[tilespmem:s4], [sflag:$0x3] =	stream.linear.gather [hbm4b:s10+s4], $0x1400, $0x38;
	[tilespmem:$0x1A800] =	vst v63  }
0x28: {  	_ =	swait.ge [sflag:s15], $0x1400  }
0x29: {  	[sflag:s15] =	ssyncset.done $0x0  }
0x2a: {  	s22 =	simm.s32 $0x1400;
	[sflag:s15] =	ssyncadd.s32 $0xFFFFEC00  }
0x2b: {  	[tilespmem:s22], [sflag:$0x3] =	stream.linear.gather [hbm4b:s11+s4], $0x1400, $0x38;
	[tilespmem:$0x1A800] =	vst v63  }
.Ltmp2:
0x2c: {  	_ = 	snop;
	(pc) =	sbr.rel .LBB2_2-.Ltmp2, $4  }
0x2d: {  	_ =	swait.ge [sflag:s15], $0x1400  }
0x2e: {  	s23 =	simm.s32 $0x80;
	[sflag:s15] =	ssyncset.done $0x0  }
0x2f: {  	s24 =	simm.s32 $0x0;
	s25 =	simm.s32 $0x0;
	[sflag:s15] =	ssyncadd.s32 $0xFFFFEC00  }
0x30: {  	[tilespmem:s17], [sflag:$0x1] =	stream.indirect.gather [spmem:s2], $0x40, s4, s19, $0xb8;
	[tilespmem:$0x1A800] =	vst v63  }
.LBB2_5:
0x31: {  	s25 =	sadd.s32 $0x1, s25  }
0x32: {  	p0 =	sne.s32 s25, $0x28  }
.Ltmp3:
0x33: {  	s24 =	sadd.s32 $0x2000, s24;
	(pc) =	sbr.rel @!p0 .LBB2_6-.Ltmp3, $4  }
0x34: {  	s26 =	sand.u32 $0x2000, s24  }
0x35: {  	s26 =	sadd.s32 $0x2800, s26  }
0x36: {  	[tilespmem:s26], [sflag:$0x1] =	stream.indirect.gather [spmem:s2], $0x40, s23, s19, $0xb8;
	[tilespmem:$0x1A800] =	vst v63  }
0x37: {  	s22 =	sadd.s32 $0x80, s22;
	s23 =	sadd.s32 $0x80, s23  }
.LBB2_2:
0x38: {  	p0 =	seq.s32 s25, $0x0  }
.Ltmp4:
0x39: {  	_ = 	snop;
	(pc) =	sbr.rel @p0 .LBB2_5-.Ltmp4, $4  }
0x3a: {  	_ =	swait.ge [sflag:s18], $0x2000  }
0x3b: {  	s26 =	sand.u32 $0x2000, s24;
	[sflag:s18] =	ssyncset.done $0x0  }
0x3c: {  	s26 =	sadd.s32 $0x2800, s26;
	[sflag:s18] =	ssyncadd.s32 $0xFFFFE000  }
0x3d: {  	[spmem:s3] =	stream.indirect.scatter.add.f32 [tilespmem:s26], [sflag:$0x2], $0x40, s22, s19, $0xb8;
	[tilespmem:$0x1A800] =	vst v63  }
0x3e: {  	p0 =	seq.s32 s25, $0x27  }
.Ltmp5:
0x3f: {  	_ = 	snop;
	(pc) =	sbr.rel @p0 .LBB2_6-.Ltmp5, $1  }
0x40: {  	_ =	sdelay $0x3  }
.Ltmp6:
0x41: {  	(pc) =	sbr.rel .LBB2_5-.Ltmp6, $4  }
0x42: {  	_ = 	snop  }
0x43: {  	_ =	swait.ge [sflag:s20], $0x2000  }
0x44: {  	[sflag:s20] =	ssyncset.done $0x0  }
0x45: {  	[sflag:s20] =	ssyncadd.s32 $0xFFFFE000  }
.LBB2_6:
0x46: {  	_ =	swait.ge [sflag:s20], $0x2000  }
0x47: {  	[sflag:s20] =	ssyncset.done $0x0  }
0x48: {  	[sflag:s20] =	ssyncadd.s32 $0xFFFFE000  }
0x49: {  	_ =	swait.ge [sflag:s20], $0x2000  }
0x4a: {  	[sflag:s20] =	ssyncset.done $0x0  }
0x4b: {  	s22 =	simm.s32 $0x0;
	[sflag:s20] =	ssyncadd.s32 $0xFFFFE000  }
0x4c: {  	[tilespmem:s22], [sflag:$0x3] =	stream.linear.gather [hbm4b:s12+s22], $0x1400, $0x38;
	[tilespmem:$0x1A800] =	vst v63  }
0x4d: {  	_ =	swait.ge [sflag:s15], $0x1400  }
0x4e: {  	[sflag:s15] =	ssyncset.done $0x0  }
0x4f: {  	s23 =	simm.s32 $0x1400;
	[sflag:s15] =	ssyncadd.s32 $0xFFFFEC00  }
0x50: {  	[tilespmem:s23], [sflag:$0x3] =	stream.linear.gather [hbm4b:s13+s22], $0x1400, $0x38;
	[tilespmem:$0x1A800] =	vst v63  }
.Ltmp7:
0x51: {  	_ = 	snop;
	(pc) =	sbr.rel .LBB2_7-.Ltmp7, $4  }
0x52: {  	_ =	swait.ge [sflag:s15], $0x1400  }
0x53: {  	[sflag:s15] =	ssyncset.done $0x0  }
0x54: {  	s24 =	simm.s32 $0x80;
	s25 =	simm.s32 $0x2000;
	[sflag:s15] =	ssyncadd.s32 $0xFFFFEC00  }
0x55: {  	[tilespmem:s17], [sflag:$0x1] =	stream.indirect.gather [spmem:s2], $0x40, s22, s24, $0xb8;
	[tilespmem:$0x1A800] =	vst v63  }
.LBB2_10:
0x56: {  	s22 =	sadd.s32 $0x1, s22  }
0x57: {  	p0 =	sne.s32 s22, $0x28  }
.Ltmp8:
0x58: {  	_ = 	snop;
	(pc) =	sbr.rel @!p0 .LBB2_11-.Ltmp8, $4  }
0x59: {  	s26 =	sand.u32 $0x2000, s25  }
0x5a: {  	s26 =	sadd.s32 $0x2800, s26  }
0x5b: {  	[tilespmem:s26], [sflag:$0x1] =	stream.indirect.gather [spmem:s2], $0x40, s24, s19, $0xb8;
	[tilespmem:$0x1A800] =	vst v63  }
0x5c: {  	s25 =	sadd.s32 $0x2000, s25;
	s23 =	sadd.s32 $0x80, s23;
	s24 =	sadd.s32 $0x80, s24  }
.LBB2_7:
0x5d: {  	p0 =	seq.s32 s22, $0x0  }
.Ltmp9:
0x5e: {  	_ = 	snop;
	(pc) =	sbr.rel @p0 .LBB2_10-.Ltmp9, $4  }
0x5f: {  	s26 =	sadd.s32 $0xFFFFE000, s25;
	_ =	swait.ge [sflag:s18], $0x2000  }
0x60: {  	s26 =	sand.u32 $0x2000, s26;
	[sflag:s18] =	ssyncset.done $0x0  }
0x61: {  	s26 =	sadd.s32 $0x2800, s26;
	[sflag:s18] =	ssyncadd.s32 $0xFFFFE000  }
0x62: {  	[spmem:s3] =	stream.indirect.scatter.add.f32 [tilespmem:s26], [sflag:$0x2], $0x40, s23, s19, $0xb8;
	[tilespmem:$0x1A800] =	vst v63  }
0x63: {  	p0 =	seq.s32 s22, $0x27  }
.Ltmp10:
0x64: {  	_ = 	snop;
	(pc) =	sbr.rel @p0 .LBB2_11-.Ltmp10, $1  }
0x65: {  	_ =	sdelay $0x3  }
.Ltmp11:
0x66: {  	(pc) =	sbr.rel .LBB2_10-.Ltmp11, $4  }
0x67: {  	_ = 	snop  }
0x68: {  	_ =	swait.ge [sflag:s20], $0x2000  }
0x69: {  	[sflag:s20] =	ssyncset.done $0x0  }
0x6a: {  	[sflag:s20] =	ssyncadd.s32 $0xFFFFE000  }
.LBB2_12:
0x6b: {  	_ =	sfence.sel $0x180000  }
0x6c: {  	[bflag:$0x0] =	sbarrier.arrive $0xFFFF  }
0x6d: {  	p0 =	sne.s32 s1, $0x0;
	_ =	strace $0x90000047  }
0x6e: {  	s0 =	sadd.s32 @!p0 $0x100000, s0;
	[bflag:$0x2] =	sbarrier.arrive $0xFFFF  }
0x6f: {  	[sflag:s0] =	ssyncadd.tile.s32 @!p0 $0x1;
	_ =	shalt  }
.Lfunc_end2:
_tile_overlayer_lowered:
.L_overlay_start_2:
0x70: {  	(tag) =	ssettag $0x2  }
0x71: {  	s0 =	rddreg [dreg:$0x0];
	s2 =	stileid.u32  }
0x72: {  	s1 =	rddreg [dreg:$0x1];
	p0 =	sne.s32 s2, $0x0  }
0x73: {  	s3 =	rddreg [dreg:$0x2];
	[bflag:$0x3] =	sbarrier.arrive $0xFFFF;
	s2 =	simm.s32 @!p0 $0x1C03  }
0x74: {  	[timem:s3], [sflag:s2] =	dma.local @!p0 [hbm:s0], s1  }
0x75: {  	s0 =	simm.s32 @!p0 $0x3  }
0x76: {  	_ =	swait.ge @!p0 [sflag:s0], s1  }
0x77: {  	s1 =	ssub.s32 @!p0 $0x0, s1;
	[sflag:s0] =	ssyncset.done @!p0 $0x0  }
0x78: {  	[sflag:s0] =	ssyncadd.s32 @!p0 s1  }
0x79: {  	[bflag:$0x3] =	sbarrier.arrive $0xFFFF  }
0x7a: {  	_ =	shalt  }

</sc_bundles>
